<compile_context>
chip_gen: v7x
topology: tpu7x:2x2x1
jax: 0.10.2.dev20260603
libtpu: 0.0.44.dev20260713+nightly
codegen_flags: <defaults>
</compile_context>

<pallas_src>
import functools

import jax
import jax.numpy as jnp
import numpy as np
from jax import lax
from jax.experimental import pallas as pl
from jax.experimental.pallas import tpu as pltpu
from jax.experimental.pallas import tpu_sc as plsc

_FIELD_DIMS = [40000] * 26
_NUM_FIELDS = len(_FIELD_DIMS)
_EMBED_DIM = 32
_BATCH = 16384
_SUM_DIMS = sum(_FIELD_DIMS)
_EPS = 1e-5
_OFFSETS = np.concatenate([[0], np.cumsum(_FIELD_DIMS)[:-1]]).astype(np.int32)

_NC = 2
_NS = 16
_NW = _NC * _NS

_F_PAD = 28
_D_PAD = _F_PAD * _EMBED_DIM
_N_ROWS = _BATCH * _F_PAD
_ROWS_PER_W = _N_ROWS // _NW
_B_PER_W = _BATCH // _NW
_GATHER = 128
_CHUNK_B = 64
_CHUNK = _CHUNK_B * _F_PAD
_G_PER_CHUNK = _CHUNK // _GATHER
_CHUNKS = _B_PER_W // _CHUNK_B
_IDX_ROWS = _ROWS_PER_W // _GATHER


def _sc_gather(idx3, emb_table, lin16):
    mesh = plsc.VectorSubcoreMesh(core_axis_name="c", subcore_axis_name="s")

    @functools.partial(
        pl.kernel,
        mesh=mesh,
        compiler_params=pltpu.CompilerParams(
            use_tc_tiling_on_sc=False, needs_layout_passes=False),
        out_type=[
            jax.ShapeDtypeStruct((_N_ROWS, _EMBED_DIM), jnp.float32),
            jax.ShapeDtypeStruct((_BATCH,), jnp.float32),
        ],
        scratch_types=[
            pltpu.VMEM((_IDX_ROWS, _GATHER), jnp.int32),
            pltpu.VMEM((_G_PER_CHUNK, _GATHER), jnp.int32),
            pltpu.VMEM((_CHUNK, _EMBED_DIM), jnp.float32),
            pltpu.VMEM((_CHUNK, 16), jnp.float32),
            pltpu.VMEM((_CHUNK_B,), jnp.float32),
            pltpu.SemaphoreType.DMA,
        ],
    )
    def k(idx_hbm, emb_hbm, lin_hbm, emb_out, lin_out,
          idx_v, idx16_v, rows_v, lin16_v, lin_v, sem):
        wid = lax.axis_index("s") * _NC + lax.axis_index("c")
        row_base = wid * _ROWS_PER_W
        pltpu.sync_copy(idx_hbm.at[wid], idx_v)

        def chunk_body(c, _):
            def shift_body(g, _):
                row = c * _G_PER_CHUNK + g // 8
                col = (g % 8) * 16
                v = idx_v[row, pl.ds(col, 16)]
                idx16_v[g // 8, pl.ds(col, 16)] = lax.shift_right_logical(v, 4)
                return ()
            lax.fori_loop(0, _G_PER_CHUNK * 8, shift_body, ())

            handles = []
            for j in range(_G_PER_CHUNK):
                handles.append(pltpu.async_copy(
                    emb_hbm.at[idx_v.at[c * _G_PER_CHUNK + j]],
                    rows_v.at[pl.ds(j * _GATHER, _GATHER)], sem))
                handles.append(pltpu.async_copy(
                    lin_hbm.at[idx16_v.at[j]],
                    lin16_v.at[pl.ds(j * _GATHER, _GATHER)], sem))
            for h in handles:
                h.wait()

            iota16 = jax.lax.broadcasted_iota(jnp.int32, (16,), 0)
            def sum_body(b16, _):
                base = c * _CHUNK + (b16 * 16 + iota16) * _F_PAD
                acc = jnp.zeros((16,), jnp.float32)
                def k_body(k, acc):
                    p = base + k
                    lane = plsc.load_gather(
                        idx_v, [lax.shift_right_logical(p, 7), p & 127]) & 15
                    vals = plsc.load_gather(
                        lin16_v, [p - c * _CHUNK, lane])
                    return acc + vals
                acc = lax.fori_loop(0, _NUM_FIELDS, k_body, acc)
                lin_v[pl.ds(b16 * 16, 16)] = acc
                return ()
            lax.fori_loop(0, _CHUNK_B // 16, sum_body, ())

            out_off = row_base + c * _CHUNK
            b_off = wid * _B_PER_W + c * _CHUNK_B
            pltpu.sync_copy(rows_v, emb_out.at[pl.ds(out_off, _CHUNK)])
            pltpu.sync_copy(lin_v, lin_out.at[pl.ds(b_off, _CHUNK_B)])
            return ()

        lax.fori_loop(0, _CHUNKS, chunk_body, ())

    return k(idx3, emb_table, lin16)


def _mlp_body(emb_ref, lin_ref, W1_ref, b1_ref, g1_ref, bt1_ref, W2_ref,
              b2_ref, g2_ref, bt2_ref, W3_ref, c3_ref, out_ref):
    inv = (1.0 + _EPS) ** -0.5
    h = jnp.dot(emb_ref[...], W1_ref[...], preferred_element_type=jnp.float32)
    h = (h + b1_ref[...]) * inv * g1_ref[...] + bt1_ref[...]
    h = jnp.maximum(h, 0.0)
    h = jnp.dot(h, W2_ref[...], preferred_element_type=jnp.float32)
    h = (h + b2_ref[...]) * inv * g2_ref[...] + bt2_ref[...]
    h = jnp.maximum(h, 0.0)
    z = jnp.dot(h, W3_ref[...], preferred_element_type=jnp.float32)
    zz = z[:, 0] + lin_ref[...] + c3_ref[0, 0]
    out_ref[...] = jax.nn.sigmoid(zz)


def _tc_mlp(emb2, lsum, W1p, b1, g1, bt1, W2, b2, g2, bt2, W3, c3,
            block_b=4096):
    nb = _BATCH // block_b
    full = lambda shape: pl.BlockSpec(shape, lambda i: (0,) * len(shape))
    return pl.pallas_call(
        _mlp_body,
        grid=(nb,),
        in_specs=[
            pl.BlockSpec((block_b, _D_PAD), lambda i: (i, 0)),
            pl.BlockSpec((block_b,), lambda i: (i,)),
            full((_D_PAD, 32)), full((1, 32)), full((1, 32)), full((1, 32)),
            full((32, 32)), full((1, 32)), full((1, 32)), full((1, 32)),
            full((32, 1)), full((1, 1)),
        ],
        out_specs=pl.BlockSpec((block_b,), lambda i: (i,)),
        out_shape=jax.ShapeDtypeStruct((_BATCH,), jnp.float32),
    )(emb2, lsum, W1p, b1, g1, bt1, W2, b2, g2, bt2, W3, c3)


def kernel(x, emb_table, lin_table, lin_bias, W1, b1, g1, beta1,
           W2, b2, g2, beta2, W3, b3):
    idx = x + _OFFSETS[None, :]
    idxp = jnp.concatenate([idx, idx[:, :2]], axis=1)
    idx3 = idxp.reshape(_NW, _IDX_ROWS, _GATHER)
    lin16 = lin_table[:, 0].reshape(_SUM_DIMS // 16, 16)
    emb_rows, lsum = _sc_gather(idx3, emb_table, lin16)
    emb2 = emb_rows.reshape(_BATCH, _D_PAD)
    W1p = jnp.concatenate(
        [W1, jnp.zeros((_D_PAD - W1.shape[0], 32), jnp.float32)], axis=0)
    r = lambda v: v.reshape(1, -1)
    c3 = (b3 + lin_bias).reshape(1, 1)
    return _tc_mlp(emb2, lsum, W1p, r(b1), r(g1), r(beta1),
                   W2, r(b2), r(g2), r(beta2), W3, c3)

# --- scband reference (transcript-rebuilt; emitter-appended) ---
"""Pipeline reference for scband-wide-and-deep-model-78125455114847 (READ-ONLY COPY).

The authoritative reference and input builder live on the scoring server;
editing this copy changes nothing except your own understanding.
"""

import jax, jax.numpy as jnp
import numpy as np

FIELD_DIMS = [40000] * 26
NUM_FIELDS = len(FIELD_DIMS)
EMBED_DIM = 32
SUM_DIMS = sum(FIELD_DIMS)
OFFSETS = jnp.asarray(np.concatenate([[0], np.cumsum(FIELD_DIMS)[:-1]]).astype(np.int32))
BATCH = 16384
EPS = 1e-5


def setup_inputs(seed: int = 0):
    key = jax.random.key(seed)
    ks = jax.random.split(key, 8)
    x = jax.random.randint(ks[0], (BATCH, NUM_FIELDS), 0, 40000, dtype=jnp.int32)
    def xav(k, shape):
        return jax.random.normal(k, shape, dtype=jnp.float32) * np.sqrt(2.0 / (shape[0] + shape[-1]))
    return {
        "x": x,
        "emb_table": jax.random.normal(ks[1], (SUM_DIMS, EMBED_DIM), dtype=jnp.float32) * 0.01,
        "lin_table": jax.random.normal(ks[2], (SUM_DIMS, 1), dtype=jnp.float32) * 0.01,
        "lin_bias": jnp.zeros((1,), dtype=jnp.float32),
        "W1": xav(ks[3], (NUM_FIELDS * EMBED_DIM, 32)),
        "b1": jnp.zeros((32,), dtype=jnp.float32),
        "g1": jnp.ones((32,), dtype=jnp.float32),
        "beta1": jnp.zeros((32,), dtype=jnp.float32),
        "W2": xav(ks[4], (32, 32)),
        "b2": jnp.zeros((32,), dtype=jnp.float32),
        "g2": jnp.ones((32,), dtype=jnp.float32),
        "beta2": jnp.zeros((32,), dtype=jnp.float32),
        "W3": xav(ks[5], (32, 1)),
        "b3": jnp.zeros((1,), dtype=jnp.float32),
    }


def reference(x, emb_table, lin_table, lin_bias, W1, b1, g1, beta1, W2, b2, g2, beta2, W3, b3):
    # FeaturesEmbedding / FeaturesLinear: add per-field offsets, then lookup
    idx = x + OFFSETS[None, :]
    embed_x = jnp.take(emb_table, idx, axis=0)  # [B, F, embed_dim]
    linear = jnp.sum(jnp.take(lin_table, idx, axis=0), axis=1) + lin_bias  # [B, 1]
    # MLP (eval mode: BatchNorm uses running stats mean=0, var=1; dropout is identity)
    h = embed_x.reshape(-1, NUM_FIELDS * EMBED_DIM)
    h = h @ W1 + b1
    h = h / jnp.sqrt(1.0 + EPS) * g1 + beta1
    h = jax.nn.relu(h)
    h = h @ W2 + b2
    h = h / jnp.sqrt(1.0 + EPS) * g2 + beta2
    h = jax.nn.relu(h)
    out = h @ W3 + b3
    out = linear + out
    return jax.nn.sigmoid(jnp.squeeze(out, axis=1))

if __name__ == "__main__":
    import jax
    _d = setup_inputs()
    print(jax.jit(kernel)(*tuple(_d.values())))

</pallas_src>

<mosaic_0001>
#map = affine_map<(d0, d1) -> (0, 0, 0)>
#map1 = affine_map<(d0, d1) -> (0, 0)>
#map2 = affine_map<(d0, d1) -> (0)>
module attributes {stable_mosaic.version = 14 : i64} {
  func.func @k(%arg0: i32, %arg1: i32, %arg2: memref<32x112x128xi32, #tpu.memory_space<hbm>>, %arg3: memref<1040000x32xf32, #tpu.memory_space<hbm>>, %arg4: memref<65000x16xf32, #tpu.memory_space<hbm>>, %arg5: memref<458752x32xf32, #tpu.memory_space<hbm>>, %arg6: memref<16384xf32, #tpu.memory_space<hbm>>, %arg7: memref<112x128xi32, #tpu.memory_space<vmem>>, %arg8: memref<14x128xi32, #tpu.memory_space<vmem>>, %arg9: memref<1792x32xf32, #tpu.memory_space<vmem>>, %arg10: memref<1792x16xf32, #tpu.memory_space<vmem>>, %arg11: memref<64xf32, #tpu.memory_space<vmem>>, %arg12: memref<!tpu.dma_semaphore, #tpu.memory_space<semaphore_mem>>) attributes {dimension_semantics = [#tpu.dimension_semantics<core_parallel>, #tpu.dimension_semantics<subcore_parallel>], iteration_bounds = array<i64: 2, 16>, scalar_prefetch = 0 : i64, scratch_operands = 6 : i64, tpu.core_type = #tpu.core_type<sc_vector_subcore>, window_params = [{transform_indices = #map}, {transform_indices = #map1}, {transform_indices = #map1}, {transform_indices = #map1}, {transform_indices = #map2}]} {
    %mul3A = arith.constant 2 : i32
    %mul3A_0 = arith.muli %arg1, %mul3A : i32
    %add3A = arith.addi %mul3A_0, %arg0 : i32
    %mul3A_1 = arith.constant 14336 : i32
    %mul3A_2 = arith.muli %add3A, %mul3A_1 : i32
    "tpu.region"() ({
      %run_scoped3A = tpu.sem_alloc : memref<!tpu.dma_semaphore, #tpu.memory_space<semaphore_mem>>
      %dma_start3A = arith.constant 0 : i32
      %dma_start3A_7 = arith.constant 0 : i32
      %dma_start3A_8 = tpu.memref_slice %arg2[%add3A, %dma_start3A, %dma_start3A_7] : memref<32x112x128xi32, #tpu.memory_space<hbm>> -> memref<1x112x128xi32, #tpu.memory_space<hbm>>
      %dma_start3A_9 = tpu.memref_squeeze %dma_start3A_8 : memref<1x112x128xi32, #tpu.memory_space<hbm>> -> memref<112x128xi32, #tpu.memory_space<hbm>>
      %dma_start3A_10 = arith.constant 0 : i32
      %dma_start3A_11 = arith.constant 0 : i32
      %dma_start3A_12 = tpu.memref_slice %arg2[%add3A, %dma_start3A_10, %dma_start3A_11] : memref<32x112x128xi32, #tpu.memory_space<hbm>> -> memref<1x112x128xi32, #tpu.memory_space<hbm>>
      %dma_start3A_13 = tpu.memref_squeeze %dma_start3A_12 : memref<1x112x128xi32, #tpu.memory_space<hbm>> -> memref<112x128xi32, #tpu.memory_space<hbm>>
      tpu.enqueue_dma source(%dma_start3A_13 : memref<112x128xi32, #tpu.memory_space<hbm>>) target(%arg7 : memref<112x128xi32, #tpu.memory_space<vmem>>) target_semaphore(%run_scoped3A : memref<!tpu.dma_semaphore, #tpu.memory_space<semaphore_mem>>)
      %dma_wait3A = arith.constant 0 : i32
      %dma_wait3A_14 = arith.constant 0 : i32
      %dma_wait3A_15 = tpu.memref_slice %arg2[%add3A, %dma_wait3A, %dma_wait3A_14] : memref<32x112x128xi32, #tpu.memory_space<hbm>> -> memref<1x112x128xi32, #tpu.memory_space<hbm>>
      %dma_wait3A_16 = tpu.memref_squeeze %dma_wait3A_15 : memref<1x112x128xi32, #tpu.memory_space<hbm>> -> memref<112x128xi32, #tpu.memory_space<hbm>>
      %dma_wait3A_17 = arith.constant 0 : i32
      %dma_wait3A_18 = arith.constant 0 : i32
      %dma_wait3A_19 = tpu.memref_slice %arg2[%add3A, %dma_wait3A_17, %dma_wait3A_18] : memref<32x112x128xi32, #tpu.memory_space<hbm>> -> memref<1x112x128xi32, #tpu.memory_space<hbm>>
      %dma_wait3A_20 = tpu.memref_squeeze %dma_wait3A_19 : memref<1x112x128xi32, #tpu.memory_space<hbm>> -> memref<112x128xi32, #tpu.memory_space<hbm>>
      tpu.wait_dma2 semaphore(%run_scoped3A : memref<!tpu.dma_semaphore, #tpu.memory_space<semaphore_mem>>) src(%dma_wait3A_20 : memref<112x128xi32, #tpu.memory_space<hbm>>) dst(%arg7 : memref<112x128xi32, #tpu.memory_space<vmem>>)
      tpu.yield
    }) : () -> ()
    %scan3A = arith.constant 0 : i32
    %scan3A_3 = arith.constant 8 : i32
    %scan3A_4 = arith.addi %scan3A, %scan3A_3 : i32
    %scan3A_5 = arith.constant 1 : i32
    scf.for %scan3A_7 = %scan3A to %scan3A_4 step %scan3A_5  : i32 {
      %scan3A_8 = arith.constant 0 : i32
      %scan3A_9 = arith.constant 112 : i32
      %scan3A_10 = arith.addi %scan3A_8, %scan3A_9 : i32
      %scan3A_11 = arith.constant 1 : i32
      scf.for %scan3A_612 = %scan3A_8 to %scan3A_10 step %scan3A_11  : i32 {
        %mul3A_613 = arith.constant 14 : i32
        %mul3A_614 = arith.muli %scan3A_7, %mul3A_613 : i32
        %jit3A = arith.constant 8 : i32
        %div3A = arith.divsi %scan3A_612, %jit3A : i32
        %sign3A = arith.constant 0 : i32
        %sign3A_615 = arith.cmpi sgt, %scan3A_612, %sign3A : i32
        %sign3A_616 = arith.extui %sign3A_615 : i1 to i32
        %sign3A_617 = arith.constant 0 : i32
        %sign3A_618 = arith.cmpi slt, %scan3A_612, %sign3A_617 : i32
        %sign3A_619 = arith.extui %sign3A_618 : i1 to i32
        %sign3A_620 = arith.subi %sign3A_616, %sign3A_619 : i32
        %sign3A_621 = arith.constant 0 : i32
        %sign3A_622 = arith.cmpi sgt, %jit3A, %sign3A_621 : i32
        %sign3A_623 = arith.extui %sign3A_622 : i1 to i32
        %sign3A_624 = arith.constant 0 : i32
        %sign3A_625 = arith.cmpi slt, %jit3A, %sign3A_624 : i32
        %sign3A_626 = arith.extui %sign3A_625 : i1 to i32
        %sign3A_627 = arith.subi %sign3A_623, %sign3A_626 : i32
        %ne3A = arith.cmpi ne, %sign3A_620, %sign3A_627 : i32
        %rem3A = arith.remsi %scan3A_612, %jit3A : i32
        %ne3A_628 = arith.constant 0 : i32
        %ne3A_629 = arith.cmpi ne, %rem3A, %ne3A_628 : i32
        %and3A = arith.andi %ne3A, %ne3A_629 : i1
        %sub3A = arith.constant 1 : i32
        %sub3A_630 = arith.subi %div3A, %sub3A : i32
        %select_n3A = arith.select %and3A, %sub3A_630, %div3A : i32
        %add3A_631 = arith.addi %mul3A_614, %select_n3A : i32
        %jit3A_632 = arith.constant 8 : i32
        %eq3A = arith.constant 0 : i32
        %eq3A_633 = arith.cmpi eq, %jit3A_632, %eq3A : i32
        %jit3A_634 = arith.constant 1 : i32
        %select_n3A_635 = arith.select %eq3A_633, %jit3A_634, %jit3A_632 : i32
        %rem3A_636 = arith.remsi %scan3A_612, %select_n3A_635 : i32
        %ne3A_637 = arith.constant 0 : i32
        %ne3A_638 = arith.cmpi ne, %rem3A_636, %ne3A_637 : i32
        %lt3A = arith.constant 0 : i32
        %lt3A_639 = arith.cmpi slt, %rem3A_636, %lt3A : i32
        %lt3A_640 = arith.constant 0 : i32
        %lt3A_641 = arith.cmpi slt, %select_n3A_635, %lt3A_640 : i32
        %ne3A_642 = arith.xori %lt3A_639, %lt3A_641 : i1
        %and3A_643 = arith.andi %ne3A_642, %ne3A_638 : i1
        %add3A_644 = arith.addi %rem3A_636, %select_n3A_635 : i32
        %select_n3A_645 = arith.select %and3A_643, %add3A_644, %rem3A_636 : i32
        %mul3A_646 = arith.constant 16 : i32
        %mul3A_647 = arith.muli %select_n3A_645, %mul3A_646 : i32
        %get3A = arith.index_cast %add3A_631 : i32 to index
        %get3A_648 = arith.index_cast %mul3A_647 : i32 to index
        %get3A_649 = tpu.vector_load %arg7[%get3A, %get3A_648] {strides = array<i32>} : memref<112x128xi32, #tpu.memory_space<vmem>>, vector<16xi32>,
        %shift_right_logical3A = arith.constant 4 : i32
        %shift_right_logical3A_650 = vector.broadcast %shift_right_logical3A : i32 to vector<16xi32>
        %shift_right_logical3A_651 = arith.shrui %get3A_649, %shift_right_logical3A_650 : vector<16xi32>
        %jit3A_652 = arith.constant 8 : i32
        %div3A_653 = arith.divsi %scan3A_612, %jit3A_652 : i32
        %sign3A_654 = arith.constant 0 : i32
        %sign3A_655 = arith.cmpi sgt, %scan3A_612, %sign3A_654 : i32
        %sign3A_656 = arith.extui %sign3A_655 : i1 to i32
        %sign3A_657 = arith.constant 0 : i32
        %sign3A_658 = arith.cmpi slt, %scan3A_612, %sign3A_657 : i32
        %sign3A_659 = arith.extui %sign3A_658 : i1 to i32
        %sign3A_660 = arith.subi %sign3A_656, %sign3A_659 : i32
        %sign3A_661 = arith.constant 0 : i32
        %sign3A_662 = arith.cmpi sgt, %jit3A_652, %sign3A_661 : i32
        %sign3A_663 = arith.extui %sign3A_662 : i1 to i32
        %sign3A_664 = arith.constant 0 : i32
        %sign3A_665 = arith.cmpi slt, %jit3A_652, %sign3A_664 : i32
        %sign3A_666 = arith.extui %sign3A_665 : i1 to i32
        %sign3A_667 = arith.subi %sign3A_663, %sign3A_666 : i32
        %ne3A_668 = arith.cmpi ne, %sign3A_660, %sign3A_667 : i32
        %rem3A_669 = arith.remsi %scan3A_612, %jit3A_652 : i32
        %ne3A_670 = arith.constant 0 : i32
        %ne3A_671 = arith.cmpi ne, %rem3A_669, %ne3A_670 : i32
        %and3A_672 = arith.andi %ne3A_668, %ne3A_671 : i1
        %sub3A_673 = arith.constant 1 : i32
        %sub3A_674 = arith.subi %div3A_653, %sub3A_673 : i32
        %select_n3A_675 = arith.select %and3A_672, %sub3A_674, %div3A_653 : i32
        %swap3A = arith.index_cast %select_n3A_675 : i32 to index
        %swap3A_676 = arith.index_cast %mul3A_647 : i32 to index
        %swap3A_677 = tpu.vector_load %arg8[%swap3A, %swap3A_676] {strides = array<i32>} : memref<14x128xi32, #tpu.memory_space<vmem>>, vector<16xi32>,
        tpu.vector_store %arg8[%swap3A, %swap3A_676], %shift_right_logical3A_651 {strides = array<i32>} : memref<14x128xi32, #tpu.memory_space<vmem>>, vector<16xi32>,
      }
      %scan3A_12 = arith.constant 112 : i32
      %mul3A_13 = arith.constant 14 : i32
      %mul3A_14 = arith.muli %scan3A_7, %mul3A_13 : i32
      %add3A_15 = arith.constant 0 : i32
      %add3A_16 = arith.addi %mul3A_14, %add3A_15 : i32
      %dma_start3A = arith.constant 0 : i32
      %dma_start3A_17 = arith.constant 0 : i32
      %dma_start3A_18 = tpu.memref_slice %arg9[%dma_start3A, %dma_start3A_17] : memref<1792x32xf32, #tpu.memory_space<vmem>> -> memref<128x32xf32, #tpu.memory_space<vmem>>
      %dma_start3A_19 = arith.constant 0 : i32
      %dma_start3A_20 = tpu.memref_slice %arg7[%add3A_16, %dma_start3A_19] : memref<112x128xi32, #tpu.memory_space<vmem>> -> memref<1x128xi32, #tpu.memory_space<vmem>>
      %dma_start3A_21 = tpu.memref_squeeze %dma_start3A_20 : memref<1x128xi32, #tpu.memory_space<vmem>> -> memref<128xi32, #tpu.memory_space<vmem>>
      %dma_start3A_22 = arith.constant 0 : i32
      %dma_start3A_23 = arith.constant 0 : i32
      %dma_start3A_24 = tpu.memref_slice %arg3[%dma_start3A_22, %dma_start3A_23] : memref<1040000x32xf32, #tpu.memory_space<hbm>> -> memref<1040000x32xf32, #tpu.memory_space<hbm>>
      tpu.enqueue_indirect_dma source(%dma_start3A_24 : memref<1040000x32xf32, #tpu.memory_space<hbm>>) target(%dma_start3A_18 : memref<128x32xf32, #tpu.memory_space<vmem>>) offsets(%dma_start3A_21 : memref<128xi32, #tpu.memory_space<vmem>>) semaphore(%arg12 : memref<!tpu.dma_semaphore, #tpu.memory_space<semaphore_mem>>)
      %dma_start3A_25 = arith.constant 0 : i32
      %dma_start3A_26 = arith.constant 0 : i32
      %dma_start3A_27 = arith.constant 0 : i32
      %dma_start3A_28 = tpu.memref_slice %arg10[%dma_start3A_26, %dma_start3A_27] : memref<1792x16xf32, #tpu.memory_space<vmem>> -> memref<128x16xf32, #tpu.memory_space<vmem>>
      %dma_start3A_29 = arith.constant 0 : i32
      %dma_start3A_30 = tpu.memref_slice %arg8[%dma_start3A_25, %dma_start3A_29] : memref<14x128xi32, #tpu.memory_space<vmem>> -> memref<1x128xi32, #tpu.memory_space<vmem>>
      %dma_start3A_31 = tpu.memref_squeeze %dma_start3A_30 : memref<1x128xi32, #tpu.memory_space<vmem>> -> memref<128xi32, #tpu.memory_space<vmem>>
      %dma_start3A_32 = arith.constant 0 : i32
      %dma_start3A_33 = arith.constant 0 : i32
      %dma_start3A_34 = tpu.memref_slice %arg4[%dma_start3A_32, %dma_start3A_33] : memref<65000x16xf32, #tpu.memory_space<hbm>> -> memref<65000x16xf32, #tpu.memory_space<hbm>>
      tpu.enqueue_indirect_dma source(%dma_start3A_34 : memref<65000x16xf32, #tpu.memory_space<hbm>>) target(%dma_start3A_28 : memref<128x16xf32, #tpu.memory_space<vmem>>) offsets(%dma_start3A_31 : memref<128xi32, #tpu.memory_space<vmem>>) semaphore(%arg12 : memref<!tpu.dma_semaphore, #tpu.memory_space<semaphore_mem>>)
      %mul3A_35 = arith.constant 14 : i32
      %mul3A_36 = arith.muli %scan3A_7, %mul3A_35 : i32
      %add3A_37 = arith.constant 1 : i32
      %add3A_38 = arith.addi %mul3A_36, %add3A_37 : i32
      %dma_start3A_39 = arith.constant 128 : i32
      %dma_start3A_40 = arith.constant 0 : i32
      %dma_start3A_41 = tpu.memref_slice %arg9[%dma_start3A_39, %dma_start3A_40] : memref<1792x32xf32, #tpu.memory_space<vmem>> -> memref<128x32xf32, #tpu.memory_space<vmem>>
      %dma_start3A_42 = arith.constant 0 : i32
      %dma_start3A_43 = tpu.memref_slice %arg7[%add3A_38, %dma_start3A_42] : memref<112x128xi32, #tpu.memory_space<vmem>> -> memref<1x128xi32, #tpu.memory_space<vmem>>
      %dma_start3A_44 = tpu.memref_squeeze %dma_start3A_43 : memref<1x128xi32, #tpu.memory_space<vmem>> -> memref<128xi32, #tpu.memory_space<vmem>>
      %dma_start3A_45 = arith.constant 0 : i32
      %dma_start3A_46 = arith.constant 0 : i32
      %dma_start3A_47 = tpu.memref_slice %arg3[%dma_start3A_45, %dma_start3A_46] : memref<1040000x32xf32, #tpu.memory_space<hbm>> -> memref<1040000x32xf32, #tpu.memory_space<hbm>>
      tpu.enqueue_indirect_dma source(%dma_start3A_47 : memref<1040000x32xf32, #tpu.memory_space<hbm>>) target(%dma_start3A_41 : memref<128x32xf32, #tpu.memory_space<vmem>>) offsets(%dma_start3A_44 : memref<128xi32, #tpu.memory_space<vmem>>) semaphore(%arg12 : memref<!tpu.dma_semaphore, #tpu.memory_space<semaphore_mem>>)
      %dma_start3A_48 = arith.constant 1 : i32
      %dma_start3A_49 = arith.constant 128 : i32
      %dma_start3A_50 = arith.constant 0 : i32
      %dma_start3A_51 = tpu.memref_slice %arg10[%dma_start3A_49, %dma_start3A_50] : memref<1792x16xf32, #tpu.memory_space<vmem>> -> memref<128x16xf32, #tpu.memory_space<vmem>>
      %dma_start3A_52 = arith.constant 0 : i32
      %dma_start3A_53 = tpu.memref_slice %arg8[%dma_start3A_48, %dma_start3A_52] : memref<14x128xi32, #tpu.memory_space<vmem>> -> memref<1x128xi32, #tpu.memory_space<vmem>>
      %dma_start3A_54 = tpu.memref_squeeze %dma_start3A_53 : memref<1x128xi32, #tpu.memory_space<vmem>> -> memref<128xi32, #tpu.memory_space<vmem>>
      %dma_start3A_55 = arith.constant 0 : i32
      %dma_start3A_56 = arith.constant 0 : i32
      %dma_start3A_57 = tpu.memref_slice %arg4[%dma_start3A_55, %dma_start3A_56] : memref<65000x16xf32, #tpu.memory_space<hbm>> -> memref<65000x16xf32, #tpu.memory_space<hbm>>
      tpu.enqueue_indirect_dma source(%dma_start3A_57 : memref<65000x16xf32, #tpu.memory_space<hbm>>) target(%dma_start3A_51 : memref<128x16xf32, #tpu.memory_space<vmem>>) offsets(%dma_start3A_54 : memref<128xi32, #tpu.memory_space<vmem>>) semaphore(%arg12 : memref<!tpu.dma_semaphore, #tpu.memory_space<semaphore_mem>>)
      %mul3A_58 = arith.constant 14 : i32
      %mul3A_59 = arith.muli %scan3A_7, %mul3A_58 : i32
      %add3A_60 = arith.constant 2 : i32
      %add3A_61 = arith.addi %mul3A_59, %add3A_60 : i32
      %dma_start3A_62 = arith.constant 256 : i32
      %dma_start3A_63 = arith.constant 0 : i32
      %dma_start3A_64 = tpu.memref_slice %arg9[%dma_start3A_62, %dma_start3A_63] : memref<1792x32xf32, #tpu.memory_space<vmem>> -> memref<128x32xf32, #tpu.memory_space<vmem>>
      %dma_start3A_65 = arith.constant 0 : i32
      %dma_start3A_66 = tpu.memref_slice %arg7[%add3A_61, %dma_start3A_65] : memref<112x128xi32, #tpu.memory_space<vmem>> -> memref<1x128xi32, #tpu.memory_space<vmem>>
      %dma_start3A_67 = tpu.memref_squeeze %dma_start3A_66 : memref<1x128xi32, #tpu.memory_space<vmem>> -> memref<128xi32, #tpu.memory_space<vmem>>
      %dma_start3A_68 = arith.constant 0 : i32
      %dma_start3A_69 = arith.constant 0 : i32
      %dma_start3A_70 = tpu.memref_slice %arg3[%dma_start3A_68, %dma_start3A_69] : memref<1040000x32xf32, #tpu.memory_space<hbm>> -> memref<1040000x32xf32, #tpu.memory_space<hbm>>
      tpu.enqueue_indirect_dma source(%dma_start3A_70 : memref<1040000x32xf32, #tpu.memory_space<hbm>>) target(%dma_start3A_64 : memref<128x32xf32, #tpu.memory_space<vmem>>) offsets(%dma_start3A_67 : memref<128xi32, #tpu.memory_space<vmem>>) semaphore(%arg12 : memref<!tpu.dma_semaphore, #tpu.memory_space<semaphore_mem>>)
      %dma_start3A_71 = arith.constant 2 : i32
      %dma_start3A_72 = arith.constant 256 : i32
      %dma_start3A_73 = arith.constant 0 : i32
      %dma_start3A_74 = tpu.memref_slice %arg10[%dma_start3A_72, %dma_start3A_73] : memref<1792x16xf32, #tpu.memory_space<vmem>> -> memref<128x16xf32, #tpu.memory_space<vmem>>
      %dma_start3A_75 = arith.constant 0 : i32
      %dma_start3A_76 = tpu.memref_slice %arg8[%dma_start3A_71, %dma_start3A_75] : memref<14x128xi32, #tpu.memory_space<vmem>> -> memref<1x128xi32, #tpu.memory_space<vmem>>
      %dma_start3A_77 = tpu.memref_squeeze %dma_start3A_76 : memref<1x128xi32, #tpu.memory_space<vmem>> -> memref<128xi32, #tpu.memory_space<vmem>>
      %dma_start3A_78 = arith.constant 0 : i32
      %dma_start3A_79 = arith.constant 0 : i32
      %dma_start3A_80 = tpu.memref_slice %arg4[%dma_start3A_78, %dma_start3A_79] : memref<65000x16xf32, #tpu.memory_space<hbm>> -> memref<65000x16xf32, #tpu.memory_space<hbm>>
      tpu.enqueue_indirect_dma source(%dma_start3A_80 : memref<65000x16xf32, #tpu.memory_space<hbm>>) target(%dma_start3A_74 : memref<128x16xf32, #tpu.memory_space<vmem>>) offsets(%dma_start3A_77 : memref<128xi32, #tpu.memory_space<vmem>>) semaphore(%arg12 : memref<!tpu.dma_semaphore, #tpu.memory_space<semaphore_mem>>)
      %mul3A_81 = arith.constant 14 : i32
      %mul3A_82 = arith.muli %scan3A_7, %mul3A_81 : i32
      %add3A_83 = arith.constant 3 : i32
      %add3A_84 = arith.addi %mul3A_82, %add3A_83 : i32
      %dma_start3A_85 = arith.constant 384 : i32
      %dma_start3A_86 = arith.constant 0 : i32
      %dma_start3A_87 = tpu.memref_slice %arg9[%dma_start3A_85, %dma_start3A_86] : memref<1792x32xf32, #tpu.memory_space<vmem>> -> memref<128x32xf32, #tpu.memory_space<vmem>>
      %dma_start3A_88 = arith.constant 0 : i32
      %dma_start3A_89 = tpu.memref_slice %arg7[%add3A_84, %dma_start3A_88] : memref<112x128xi32, #tpu.memory_space<vmem>> -> memref<1x128xi32, #tpu.memory_space<vmem>>
      %dma_start3A_90 = tpu.memref_squeeze %dma_start3A_89 : memref<1x128xi32, #tpu.memory_space<vmem>> -> memref<128xi32, #tpu.memory_space<vmem>>
      %dma_start3A_91 = arith.constant 0 : i32
      %dma_start3A_92 = arith.constant 0 : i32
      %dma_start3A_93 = tpu.memref_slice %arg3[%dma_start3A_91, %dma_start3A_92] : memref<1040000x32xf32, #tpu.memory_space<hbm>> -> memref<1040000x32xf32, #tpu.memory_space<hbm>>
      tpu.enqueue_indirect_dma source(%dma_start3A_93 : memref<1040000x32xf32, #tpu.memory_space<hbm>>) target(%dma_start3A_87 : memref<128x32xf32, #tpu.memory_space<vmem>>) offsets(%dma_start3A_90 : memref<128xi32, #tpu.memory_space<vmem>>) semaphore(%arg12 : memref<!tpu.dma_semaphore, #tpu.memory_space<semaphore_mem>>)
      %dma_start3A_94 = arith.constant 3 : i32
      %dma_start3A_95 = arith.constant 384 : i32
      %dma_start3A_96 = arith.constant 0 : i32
      %dma_start3A_97 = tpu.memref_slice %arg10[%dma_start3A_95, %dma_start3A_96] : memref<1792x16xf32, #tpu.memory_space<vmem>> -> memref<128x16xf32, #tpu.memory_space<vmem>>
      %dma_start3A_98 = arith.constant 0 : i32
      %dma_start3A_99 = tpu.memref_slice %arg8[%dma_start3A_94, %dma_start3A_98] : memref<14x128xi32, #tpu.memory_space<vmem>> -> memref<1x128xi32, #tpu.memory_space<vmem>>
      %dma_start3A_100 = tpu.memref_squeeze %dma_start3A_99 : memref<1x128xi32, #tpu.memory_space<vmem>> -> memref<128xi32, #tpu.memory_space<vmem>>
      %dma_start3A_101 = arith.constant 0 : i32
      %dma_start3A_102 = arith.constant 0 : i32
      %dma_start3A_103 = tpu.memref_slice %arg4[%dma_start3A_101, %dma_start3A_102] : memref<65000x16xf32, #tpu.memory_space<hbm>> -> memref<65000x16xf32, #tpu.memory_space<hbm>>
      tpu.enqueue_indirect_dma source(%dma_start3A_103 : memref<65000x16xf32, #tpu.memory_space<hbm>>) target(%dma_start3A_97 : memref<128x16xf32, #tpu.memory_space<vmem>>) offsets(%dma_start3A_100 : memref<128xi32, #tpu.memory_space<vmem>>) semaphore(%arg12 : memref<!tpu.dma_semaphore, #tpu.memory_space<semaphore_mem>>)
      %mul3A_104 = arith.constant 14 : i32
      %mul3A_105 = arith.muli %scan3A_7, %mul3A_104 : i32
      %add3A_106 = arith.constant 4 : i32
      %add3A_107 = arith.addi %mul3A_105, %add3A_106 : i32
      %dma_start3A_108 = arith.constant 512 : i32
      %dma_start3A_109 = arith.constant 0 : i32
      %dma_start3A_110 = tpu.memref_slice %arg9[%dma_start3A_108, %dma_start3A_109] : memref<1792x32xf32, #tpu.memory_space<vmem>> -> memref<128x32xf32, #tpu.memory_space<vmem>>
      %dma_start3A_111 = arith.constant 0 : i32
      %dma_start3A_112 = tpu.memref_slice %arg7[%add3A_107, %dma_start3A_111] : memref<112x128xi32, #tpu.memory_space<vmem>> -> memref<1x128xi32, #tpu.memory_space<vmem>>
      %dma_start3A_113 = tpu.memref_squeeze %dma_start3A_112 : memref<1x128xi32, #tpu.memory_space<vmem>> -> memref<128xi32, #tpu.memory_space<vmem>>
      %dma_start3A_114 = arith.constant 0 : i32
      %dma_start3A_115 = arith.constant 0 : i32
      %dma_start3A_116 = tpu.memref_slice %arg3[%dma_start3A_114, %dma_start3A_115] : memref<1040000x32xf32, #tpu.memory_space<hbm>> -> memref<1040000x32xf32, #tpu.memory_space<hbm>>
      tpu.enqueue_indirect_dma source(%dma_start3A_116 : memref<1040000x32xf32, #tpu.memory_space<hbm>>) target(%dma_start3A_110 : memref<128x32xf32, #tpu.memory_space<vmem>>) offsets(%dma_start3A_113 : memref<128xi32, #tpu.memory_space<vmem>>) semaphore(%arg12 : memref<!tpu.dma_semaphore, #tpu.memory_space<semaphore_mem>>)
      %dma_start3A_117 = arith.constant 4 : i32
      %dma_start3A_118 = arith.constant 512 : i32
      %dma_start3A_119 = arith.constant 0 : i32
      %dma_start3A_120 = tpu.memref_slice %arg10[%dma_start3A_118, %dma_start3A_119] : memref<1792x16xf32, #tpu.memory_space<vmem>> -> memref<128x16xf32, #tpu.memory_space<vmem>>
      %dma_start3A_121 = arith.constant 0 : i32
      %dma_start3A_122 = tpu.memref_slice %arg8[%dma_start3A_117, %dma_start3A_121] : memref<14x128xi32, #tpu.memory_space<vmem>> -> memref<1x128xi32, #tpu.memory_space<vmem>>
      %dma_start3A_123 = tpu.memref_squeeze %dma_start3A_122 : memref<1x128xi32, #tpu.memory_space<vmem>> -> memref<128xi32, #tpu.memory_space<vmem>>
      %dma_start3A_124 = arith.constant 0 : i32
      %dma_start3A_125 = arith.constant 0 : i32
      %dma_start3A_126 = tpu.memref_slice %arg4[%dma_start3A_124, %dma_start3A_125] : memref<65000x16xf32, #tpu.memory_space<hbm>> -> memref<65000x16xf32, #tpu.memory_space<hbm>>
      tpu.enqueue_indirect_dma source(%dma_start3A_126 : memref<65000x16xf32, #tpu.memory_space<hbm>>) target(%dma_start3A_120 : memref<128x16xf32, #tpu.memory_space<vmem>>) offsets(%dma_start3A_123 : memref<128xi32, #tpu.memory_space<vmem>>) semaphore(%arg12 : memref<!tpu.dma_semaphore, #tpu.memory_space<semaphore_mem>>)
      %mul3A_127 = arith.constant 14 : i32
      %mul3A_128 = arith.muli %scan3A_7, %mul3A_127 : i32
      %add3A_129 = arith.constant 5 : i32
      %add3A_130 = arith.addi %mul3A_128, %add3A_129 : i32
      %dma_start3A_131 = arith.constant 640 : i32
      %dma_start3A_132 = arith.constant 0 : i32
      %dma_start3A_133 = tpu.memref_slice %arg9[%dma_start3A_131, %dma_start3A_132] : memref<1792x32xf32, #tpu.memory_space<vmem>> -> memref<128x32xf32, #tpu.memory_space<vmem>>
      %dma_start3A_134 = arith.constant 0 : i32
      %dma_start3A_135 = tpu.memref_slice %arg7[%add3A_130, %dma_start3A_134] : memref<112x128xi32, #tpu.memory_space<vmem>> -> memref<1x128xi32, #tpu.memory_space<vmem>>
      %dma_start3A_136 = tpu.memref_squeeze %dma_start3A_135 : memref<1x128xi32, #tpu.memory_space<vmem>> -> memref<128xi32, #tpu.memory_space<vmem>>
      %dma_start3A_137 = arith.constant 0 : i32
      %dma_start3A_138 = arith.constant 0 : i32
      %dma_start3A_139 = tpu.memref_slice %arg3[%dma_start3A_137, %dma_start3A_138] : memref<1040000x32xf32, #tpu.memory_space<hbm>> -> memref<1040000x32xf32, #tpu.memory_space<hbm>>
      tpu.enqueue_indirect_dma source(%dma_start3A_139 : memref<1040000x32xf32, #tpu.memory_space<hbm>>) target(%dma_start3A_133 : memref<128x32xf32, #tpu.memory_space<vmem>>) offsets(%dma_start3A_136 : memref<128xi32, #tpu.memory_space<vmem>>) semaphore(%arg12 : memref<!tpu.dma_semaphore, #tpu.memory_space<semaphore_mem>>)
      %dma_start3A_140 = arith.constant 5 : i32
      %dma_start3A_141 = arith.constant 640 : i32
      %dma_start3A_142 = arith.constant 0 : i32
      %dma_start3A_143 = tpu.memref_slice %arg10[%dma_start3A_141, %dma_start3A_142] : memref<1792x16xf32, #tpu.memory_space<vmem>> -> memref<128x16xf32, #tpu.memory_space<vmem>>
      %dma_start3A_144 = arith.constant 0 : i32
      %dma_start3A_145 = tpu.memref_slice %arg8[%dma_start3A_140, %dma_start3A_144] : memref<14x128xi32, #tpu.memory_space<vmem>> -> memref<1x128xi32, #tpu.memory_space<vmem>>
      %dma_start3A_146 = tpu.memref_squeeze %dma_start3A_145 : memref<1x128xi32, #tpu.memory_space<vmem>> -> memref<128xi32, #tpu.memory_space<vmem>>
      %dma_start3A_147 = arith.constant 0 : i32
      %dma_start3A_148 = arith.constant 0 : i32
      %dma_start3A_149 = tpu.memref_slice %arg4[%dma_start3A_147, %dma_start3A_148] : memref<65000x16xf32, #tpu.memory_space<hbm>> -> memref<65000x16xf32, #tpu.memory_space<hbm>>
      tpu.enqueue_indirect_dma source(%dma_start3A_149 : memref<65000x16xf32, #tpu.memory_space<hbm>>) target(%dma_start3A_143 : memref<128x16xf32, #tpu.memory_space<vmem>>) offsets(%dma_start3A_146 : memref<128xi32, #tpu.memory_space<vmem>>) semaphore(%arg12 : memref<!tpu.dma_semaphore, #tpu.memory_space<semaphore_mem>>)
      %mul3A_150 = arith.constant 14 : i32
      %mul3A_151 = arith.muli %scan3A_7, %mul3A_150 : i32
      %add3A_152 = arith.constant 6 : i32
      %add3A_153 = arith.addi %mul3A_151, %add3A_152 : i32
      %dma_start3A_154 = arith.constant 768 : i32
      %dma_start3A_155 = arith.constant 0 : i32
      %dma_start3A_156 = tpu.memref_slice %arg9[%dma_start3A_154, %dma_start3A_155] : memref<1792x32xf32, #tpu.memory_space<vmem>> -> memref<128x32xf32, #tpu.memory_space<vmem>>
      %dma_start3A_157 = arith.constant 0 : i32
      %dma_start3A_158 = tpu.memref_slice %arg7[%add3A_153, %dma_start3A_157] : memref<112x128xi32, #tpu.memory_space<vmem>> -> memref<1x128xi32, #tpu.memory_space<vmem>>
      %dma_start3A_159 = tpu.memref_squeeze %dma_start3A_158 : memref<1x128xi32, #tpu.memory_space<vmem>> -> memref<128xi32, #tpu.memory_space<vmem>>
      %dma_start3A_160 = arith.constant 0 : i32
      %dma_start3A_161 = arith.constant 0 : i32
      %dma_start3A_162 = tpu.memref_slice %arg3[%dma_start3A_160, %dma_start3A_161] : memref<1040000x32xf32, #tpu.memory_space<hbm>> -> memref<1040000x32xf32, #tpu.memory_space<hbm>>
      tpu.enqueue_indirect_dma source(%dma_start3A_162 : memref<1040000x32xf32, #tpu.memory_space<hbm>>) target(%dma_start3A_156 : memref<128x32xf32, #tpu.memory_space<vmem>>) offsets(%dma_start3A_159 : memref<128xi32, #tpu.memory_space<vmem>>) semaphore(%arg12 : memref<!tpu.dma_semaphore, #tpu.memory_space<semaphore_mem>>)
      %dma_start3A_163 = arith.constant 6 : i32
      %dma_start3A_164 = arith.constant 768 : i32
      %dma_start3A_165 = arith.constant 0 : i32
      %dma_start3A_166 = tpu.memref_slice %arg10[%dma_start3A_164, %dma_start3A_165] : memref<1792x16xf32, #tpu.memory_space<vmem>> -> memref<128x16xf32, #tpu.memory_space<vmem>>
      %dma_start3A_167 = arith.constant 0 : i32
      %dma_start3A_168 = tpu.memref_slice %arg8[%dma_start3A_163, %dma_start3A_167] : memref<14x128xi32, #tpu.memory_space<vmem>> -> memref<1x128xi32, #tpu.memory_space<vmem>>
      %dma_start3A_169 = tpu.memref_squeeze %dma_start3A_168 : memref<1x128xi32, #tpu.memory_space<vmem>> -> memref<128xi32, #tpu.memory_space<vmem>>
      %dma_start3A_170 = arith.constant 0 : i32
      %dma_start3A_171 = arith.constant 0 : i32
      %dma_start3A_172 = tpu.memref_slice %arg4[%dma_start3A_170, %dma_start3A_171] : memref<65000x16xf32, #tpu.memory_space<hbm>> -> memref<65000x16xf32, #tpu.memory_space<hbm>>
      tpu.enqueue_indirect_dma source(%dma_start3A_172 : memref<65000x16xf32, #tpu.memory_space<hbm>>) target(%dma_start3A_166 : memref<128x16xf32, #tpu.memory_space<vmem>>) offsets(%dma_start3A_169 : memref<128xi32, #tpu.memory_space<vmem>>) semaphore(%arg12 : memref<!tpu.dma_semaphore, #tpu.memory_space<semaphore_mem>>)
      %mul3A_173 = arith.constant 14 : i32
      %mul3A_174 = arith.muli %scan3A_7, %mul3A_173 : i32
      %add3A_175 = arith.constant 7 : i32
      %add3A_176 = arith.addi %mul3A_174, %add3A_175 : i32
      %dma_start3A_177 = arith.constant 896 : i32
      %dma_start3A_178 = arith.constant 0 : i32
      %dma_start3A_179 = tpu.memref_slice %arg9[%dma_start3A_177, %dma_start3A_178] : memref<1792x32xf32, #tpu.memory_space<vmem>> -> memref<128x32xf32, #tpu.memory_space<vmem>>
      %dma_start3A_180 = arith.constant 0 : i32
      %dma_start3A_181 = tpu.memref_slice %arg7[%add3A_176, %dma_start3A_180] : memref<112x128xi32, #tpu.memory_space<vmem>> -> memref<1x128xi32, #tpu.memory_space<vmem>>
      %dma_start3A_182 = tpu.memref_squeeze %dma_start3A_181 : memref<1x128xi32, #tpu.memory_space<vmem>> -> memref<128xi32, #tpu.memory_space<vmem>>
      %dma_start3A_183 = arith.constant 0 : i32
      %dma_start3A_184 = arith.constant 0 : i32
      %dma_start3A_185 = tpu.memref_slice %arg3[%dma_start3A_183, %dma_start3A_184] : memref<1040000x32xf32, #tpu.memory_space<hbm>> -> memref<1040000x32xf32, #tpu.memory_space<hbm>>
      tpu.enqueue_indirect_dma source(%dma_start3A_185 : memref<1040000x32xf32, #tpu.memory_space<hbm>>) target(%dma_start3A_179 : memref<128x32xf32, #tpu.memory_space<vmem>>) offsets(%dma_start3A_182 : memref<128xi32, #tpu.memory_space<vmem>>) semaphore(%arg12 : memref<!tpu.dma_semaphore, #tpu.memory_space<semaphore_mem>>)
      %dma_start3A_186 = arith.constant 7 : i32
      %dma_start3A_187 = arith.constant 896 : i32
      %dma_start3A_188 = arith.constant 0 : i32
      %dma_start3A_189 = tpu.memref_slice %arg10[%dma_start3A_187, %dma_start3A_188] : memref<1792x16xf32, #tpu.memory_space<vmem>> -> memref<128x16xf32, #tpu.memory_space<vmem>>
      %dma_start3A_190 = arith.constant 0 : i32
      %dma_start3A_191 = tpu.memref_slice %arg8[%dma_start3A_186, %dma_start3A_190] : memref<14x128xi32, #tpu.memory_space<vmem>> -> memref<1x128xi32, #tpu.memory_space<vmem>>
      %dma_start3A_192 = tpu.memref_squeeze %dma_start3A_191 : memref<1x128xi32, #tpu.memory_space<vmem>> -> memref<128xi32, #tpu.memory_space<vmem>>
      %dma_start3A_193 = arith.constant 0 : i32
      %dma_start3A_194 = arith.constant 0 : i32
      %dma_start3A_195 = tpu.memref_slice %arg4[%dma_start3A_193, %dma_start3A_194] : memref<65000x16xf32, #tpu.memory_space<hbm>> -> memref<65000x16xf32, #tpu.memory_space<hbm>>
      tpu.enqueue_indirect_dma source(%dma_start3A_195 : memref<65000x16xf32, #tpu.memory_space<hbm>>) target(%dma_start3A_189 : memref<128x16xf32, #tpu.memory_space<vmem>>) offsets(%dma_start3A_192 : memref<128xi32, #tpu.memory_space<vmem>>) semaphore(%arg12 : memref<!tpu.dma_semaphore, #tpu.memory_space<semaphore_mem>>)
      %mul3A_196 = arith.constant 14 : i32
      %mul3A_197 = arith.muli %scan3A_7, %mul3A_196 : i32
      %add3A_198 = arith.constant 8 : i32
      %add3A_199 = arith.addi %mul3A_197, %add3A_198 : i32
      %dma_start3A_200 = arith.constant 1024 : i32
      %dma_start3A_201 = arith.constant 0 : i32
      %dma_start3A_202 = tpu.memref_slice %arg9[%dma_start3A_200, %dma_start3A_201] : memref<1792x32xf32, #tpu.memory_space<vmem>> -> memref<128x32xf32, #tpu.memory_space<vmem>>
      %dma_start3A_203 = arith.constant 0 : i32
      %dma_start3A_204 = tpu.memref_slice %arg7[%add3A_199, %dma_start3A_203] : memref<112x128xi32, #tpu.memory_space<vmem>> -> memref<1x128xi32, #tpu.memory_space<vmem>>
      %dma_start3A_205 = tpu.memref_squeeze %dma_start3A_204 : memref<1x128xi32, #tpu.memory_space<vmem>> -> memref<128xi32, #tpu.memory_space<vmem>>
      %dma_start3A_206 = arith.constant 0 : i32
      %dma_start3A_207 = arith.constant 0 : i32
      %dma_start3A_208 = tpu.memref_slice %arg3[%dma_start3A_206, %dma_start3A_207] : memref<1040000x32xf32, #tpu.memory_space<hbm>> -> memref<1040000x32xf32, #tpu.memory_space<hbm>>
      tpu.enqueue_indirect_dma source(%dma_start3A_208 : memref<1040000x32xf32, #tpu.memory_space<hbm>>) target(%dma_start3A_202 : memref<128x32xf32, #tpu.memory_space<vmem>>) offsets(%dma_start3A_205 : memref<128xi32, #tpu.memory_space<vmem>>) semaphore(%arg12 : memref<!tpu.dma_semaphore, #tpu.memory_space<semaphore_mem>>)
      %dma_start3A_209 = arith.constant 8 : i32
      %dma_start3A_210 = arith.constant 1024 : i32
      %dma_start3A_211 = arith.constant 0 : i32
      %dma_start3A_212 = tpu.memref_slice %arg10[%dma_start3A_210, %dma_start3A_211] : memref<1792x16xf32, #tpu.memory_space<vmem>> -> memref<128x16xf32, #tpu.memory_space<vmem>>
      %dma_start3A_213 = arith.constant 0 : i32
      %dma_start3A_214 = tpu.memref_slice %arg8[%dma_start3A_209, %dma_start3A_213] : memref<14x128xi32, #tpu.memory_space<vmem>> -> memref<1x128xi32, #tpu.memory_space<vmem>>
      %dma_start3A_215 = tpu.memref_squeeze %dma_start3A_214 : memref<1x128xi32, #tpu.memory_space<vmem>> -> memref<128xi32, #tpu.memory_space<vmem>>
      %dma_start3A_216 = arith.constant 0 : i32
      %dma_start3A_217 = arith.constant 0 : i32
      %dma_start3A_218 = tpu.memref_slice %arg4[%dma_start3A_216, %dma_start3A_217] : memref<65000x16xf32, #tpu.memory_space<hbm>> -> memref<65000x16xf32, #tpu.memory_space<hbm>>
      tpu.enqueue_indirect_dma source(%dma_start3A_218 : memref<65000x16xf32, #tpu.memory_space<hbm>>) target(%dma_start3A_212 : memref<128x16xf32, #tpu.memory_space<vmem>>) offsets(%dma_start3A_215 : memref<128xi32, #tpu.memory_space<vmem>>) semaphore(%arg12 : memref<!tpu.dma_semaphore, #tpu.memory_space<semaphore_mem>>)
      %mul3A_219 = arith.constant 14 : i32
      %mul3A_220 = arith.muli %scan3A_7, %mul3A_219 : i32
      %add3A_221 = arith.constant 9 : i32
      %add3A_222 = arith.addi %mul3A_220, %add3A_221 : i32
      %dma_start3A_223 = arith.constant 1152 : i32
      %dma_start3A_224 = arith.constant 0 : i32
      %dma_start3A_225 = tpu.memref_slice %arg9[%dma_start3A_223, %dma_start3A_224] : memref<1792x32xf32, #tpu.memory_space<vmem>> -> memref<128x32xf32, #tpu.memory_space<vmem>>
      %dma_start3A_226 = arith.constant 0 : i32
      %dma_start3A_227 = tpu.memref_slice %arg7[%add3A_222, %dma_start3A_226] : memref<112x128xi32, #tpu.memory_space<vmem>> -> memref<1x128xi32, #tpu.memory_space<vmem>>
      %dma_start3A_228 = tpu.memref_squeeze %dma_start3A_227 : memref<1x128xi32, #tpu.memory_space<vmem>> -> memref<128xi32, #tpu.memory_space<vmem>>
      %dma_start3A_229 = arith.constant 0 : i32
      %dma_start3A_230 = arith.constant 0 : i32
      %dma_start3A_231 = tpu.memref_slice %arg3[%dma_start3A_229, %dma_start3A_230] : memref<1040000x32xf32, #tpu.memory_space<hbm>> -> memref<1040000x32xf32, #tpu.memory_space<hbm>>
      tpu.enqueue_indirect_dma source(%dma_start3A_231 : memref<1040000x32xf32, #tpu.memory_space<hbm>>) target(%dma_start3A_225 : memref<128x32xf32, #tpu.memory_space<vmem>>) offsets(%dma_start3A_228 : memref<128xi32, #tpu.memory_space<vmem>>) semaphore(%arg12 : memref<!tpu.dma_semaphore, #tpu.memory_space<semaphore_mem>>)
      %dma_start3A_232 = arith.constant 9 : i32
      %dma_start3A_233 = arith.constant 1152 : i32
      %dma_start3A_234 = arith.constant 0 : i32
      %dma_start3A_235 = tpu.memref_slice %arg10[%dma_start3A_233, %dma_start3A_234] : memref<1792x16xf32, #tpu.memory_space<vmem>> -> memref<128x16xf32, #tpu.memory_space<vmem>>
      %dma_start3A_236 = arith.constant 0 : i32
      %dma_start3A_237 = tpu.memref_slice %arg8[%dma_start3A_232, %dma_start3A_236] : memref<14x128xi32, #tpu.memory_space<vmem>> -> memref<1x128xi32, #tpu.memory_space<vmem>>
      %dma_start3A_238 = tpu.memref_squeeze %dma_start3A_237 : memref<1x128xi32, #tpu.memory_space<vmem>> -> memref<128xi32, #tpu.memory_space<vmem>>
      %dma_start3A_239 = arith.constant 0 : i32
      %dma_start3A_240 = arith.constant 0 : i32
      %dma_start3A_241 = tpu.memref_slice %arg4[%dma_start3A_239, %dma_start3A_240] : memref<65000x16xf32, #tpu.memory_space<hbm>> -> memref<65000x16xf32, #tpu.memory_space<hbm>>
      tpu.enqueue_indirect_dma source(%dma_start3A_241 : memref<65000x16xf32, #tpu.memory_space<hbm>>) target(%dma_start3A_235 : memref<128x16xf32, #tpu.memory_space<vmem>>) offsets(%dma_start3A_238 : memref<128xi32, #tpu.memory_space<vmem>>) semaphore(%arg12 : memref<!tpu.dma_semaphore, #tpu.memory_space<semaphore_mem>>)
      %mul3A_242 = arith.constant 14 : i32
      %mul3A_243 = arith.muli %scan3A_7, %mul3A_242 : i32
      %add3A_244 = arith.constant 10 : i32
      %add3A_245 = arith.addi %mul3A_243, %add3A_244 : i32
      %dma_start3A_246 = arith.constant 1280 : i32
      %dma_start3A_247 = arith.constant 0 : i32
      %dma_start3A_248 = tpu.memref_slice %arg9[%dma_start3A_246, %dma_start3A_247] : memref<1792x32xf32, #tpu.memory_space<vmem>> -> memref<128x32xf32, #tpu.memory_space<vmem>>
      %dma_start3A_249 = arith.constant 0 : i32
      %dma_start3A_250 = tpu.memref_slice %arg7[%add3A_245, %dma_start3A_249] : memref<112x128xi32, #tpu.memory_space<vmem>> -> memref<1x128xi32, #tpu.memory_space<vmem>>
      %dma_start3A_251 = tpu.memref_squeeze %dma_start3A_250 : memref<1x128xi32, #tpu.memory_space<vmem>> -> memref<128xi32, #tpu.memory_space<vmem>>
      %dma_start3A_252 = arith.constant 0 : i32
      %dma_start3A_253 = arith.constant 0 : i32
      %dma_start3A_254 = tpu.memref_slice %arg3[%dma_start3A_252, %dma_start3A_253] : memref<1040000x32xf32, #tpu.memory_space<hbm>> -> memref<1040000x32xf32, #tpu.memory_space<hbm>>
      tpu.enqueue_indirect_dma source(%dma_start3A_254 : memref<1040000x32xf32, #tpu.memory_space<hbm>>) target(%dma_start3A_248 : memref<128x32xf32, #tpu.memory_space<vmem>>) offsets(%dma_start3A_251 : memref<128xi32, #tpu.memory_space<vmem>>) semaphore(%arg12 : memref<!tpu.dma_semaphore, #tpu.memory_space<semaphore_mem>>)
      %dma_start3A_255 = arith.constant 10 : i32
      %dma_start3A_256 = arith.constant 1280 : i32
      %dma_start3A_257 = arith.constant 0 : i32
      %dma_start3A_258 = tpu.memref_slice %arg10[%dma_start3A_256, %dma_start3A_257] : memref<1792x16xf32, #tpu.memory_space<vmem>> -> memref<128x16xf32, #tpu.memory_space<vmem>>
      %dma_start3A_259 = arith.constant 0 : i32
      %dma_start3A_260 = tpu.memref_slice %arg8[%dma_start3A_255, %dma_start3A_259] : memref<14x128xi32, #tpu.memory_space<vmem>> -> memref<1x128xi32, #tpu.memory_space<vmem>>
      %dma_start3A_261 = tpu.memref_squeeze %dma_start3A_260 : memref<1x128xi32, #tpu.memory_space<vmem>> -> memref<128xi32, #tpu.memory_space<vmem>>
      %dma_start3A_262 = arith.constant 0 : i32
      %dma_start3A_263 = arith.constant 0 : i32
      %dma_start3A_264 = tpu.memref_slice %arg4[%dma_start3A_262, %dma_start3A_263] : memref<65000x16xf32, #tpu.memory_space<hbm>> -> memref<65000x16xf32, #tpu.memory_space<hbm>>
      tpu.enqueue_indirect_dma source(%dma_start3A_264 : memref<65000x16xf32, #tpu.memory_space<hbm>>) target(%dma_start3A_258 : memref<128x16xf32, #tpu.memory_space<vmem>>) offsets(%dma_start3A_261 : memref<128xi32, #tpu.memory_space<vmem>>) semaphore(%arg12 : memref<!tpu.dma_semaphore, #tpu.memory_space<semaphore_mem>>)
      %mul3A_265 = arith.constant 14 : i32
      %mul3A_266 = arith.muli %scan3A_7, %mul3A_265 : i32
      %add3A_267 = arith.constant 11 : i32
      %add3A_268 = arith.addi %mul3A_266, %add3A_267 : i32
      %dma_start3A_269 = arith.constant 1408 : i32
      %dma_start3A_270 = arith.constant 0 : i32
      %dma_start3A_271 = tpu.memref_slice %arg9[%dma_start3A_269, %dma_start3A_270] : memref<1792x32xf32, #tpu.memory_space<vmem>> -> memref<128x32xf32, #tpu.memory_space<vmem>>
      %dma_start3A_272 = arith.constant 0 : i32
      %dma_start3A_273 = tpu.memref_slice %arg7[%add3A_268, %dma_start3A_272] : memref<112x128xi32, #tpu.memory_space<vmem>> -> memref<1x128xi32, #tpu.memory_space<vmem>>
      %dma_start3A_274 = tpu.memref_squeeze %dma_start3A_273 : memref<1x128xi32, #tpu.memory_space<vmem>> -> memref<128xi32, #tpu.memory_space<vmem>>
      %dma_start3A_275 = arith.constant 0 : i32
      %dma_start3A_276 = arith.constant 0 : i32
      %dma_start3A_277 = tpu.memref_slice %arg3[%dma_start3A_275, %dma_start3A_276] : memref<1040000x32xf32, #tpu.memory_space<hbm>> -> memref<1040000x32xf32, #tpu.memory_space<hbm>>
      tpu.enqueue_indirect_dma source(%dma_start3A_277 : memref<1040000x32xf32, #tpu.memory_space<hbm>>) target(%dma_start3A_271 : memref<128x32xf32, #tpu.memory_space<vmem>>) offsets(%dma_start3A_274 : memref<128xi32, #tpu.memory_space<vmem>>) semaphore(%arg12 : memref<!tpu.dma_semaphore, #tpu.memory_space<semaphore_mem>>)
      %dma_start3A_278 = arith.constant 11 : i32
      %dma_start3A_279 = arith.constant 1408 : i32
      %dma_start3A_280 = arith.constant 0 : i32
      %dma_start3A_281 = tpu.memref_slice %arg10[%dma_start3A_279, %dma_start3A_280] : memref<1792x16xf32, #tpu.memory_space<vmem>> -> memref<128x16xf32, #tpu.memory_space<vmem>>
      %dma_start3A_282 = arith.constant 0 : i32
      %dma_start3A_283 = tpu.memref_slice %arg8[%dma_start3A_278, %dma_start3A_282] : memref<14x128xi32, #tpu.memory_space<vmem>> -> memref<1x128xi32, #tpu.memory_space<vmem>>
      %dma_start3A_284 = tpu.memref_squeeze %dma_start3A_283 : memref<1x128xi32, #tpu.memory_space<vmem>> -> memref<128xi32, #tpu.memory_space<vmem>>
      %dma_start3A_285 = arith.constant 0 : i32
      %dma_start3A_286 = arith.constant 0 : i32
      %dma_start3A_287 = tpu.memref_slice %arg4[%dma_start3A_285, %dma_start3A_286] : memref<65000x16xf32, #tpu.memory_space<hbm>> -> memref<65000x16xf32, #tpu.memory_space<hbm>>
      tpu.enqueue_indirect_dma source(%dma_start3A_287 : memref<65000x16xf32, #tpu.memory_space<hbm>>) target(%dma_start3A_281 : memref<128x16xf32, #tpu.memory_space<vmem>>) offsets(%dma_start3A_284 : memref<128xi32, #tpu.memory_space<vmem>>) semaphore(%arg12 : memref<!tpu.dma_semaphore, #tpu.memory_space<semaphore_mem>>)
      %mul3A_288 = arith.constant 14 : i32
      %mul3A_289 = arith.muli %scan3A_7, %mul3A_288 : i32
      %add3A_290 = arith.constant 12 : i32
      %add3A_291 = arith.addi %mul3A_289, %add3A_290 : i32
      %dma_start3A_292 = arith.constant 1536 : i32
      %dma_start3A_293 = arith.constant 0 : i32
      %dma_start3A_294 = tpu.memref_slice %arg9[%dma_start3A_292, %dma_start3A_293] : memref<1792x32xf32, #tpu.memory_space<vmem>> -> memref<128x32xf32, #tpu.memory_space<vmem>>
      %dma_start3A_295 = arith.constant 0 : i32
      %dma_start3A_296 = tpu.memref_slice %arg7[%add3A_291, %dma_start3A_295] : memref<112x128xi32, #tpu.memory_space<vmem>> -> memref<1x128xi32, #tpu.memory_space<vmem>>
      %dma_start3A_297 = tpu.memref_squeeze %dma_start3A_296 : memref<1x128xi32, #tpu.memory_space<vmem>> -> memref<128xi32, #tpu.memory_space<vmem>>
      %dma_start3A_298 = arith.constant 0 : i32
      %dma_start3A_299 = arith.constant 0 : i32
      %dma_start3A_300 = tpu.memref_slice %arg3[%dma_start3A_298, %dma_start3A_299] : memref<1040000x32xf32, #tpu.memory_space<hbm>> -> memref<1040000x32xf32, #tpu.memory_space<hbm>>
      tpu.enqueue_indirect_dma source(%dma_start3A_300 : memref<1040000x32xf32, #tpu.memory_space<hbm>>) target(%dma_start3A_294 : memref<128x32xf32, #tpu.memory_space<vmem>>) offsets(%dma_start3A_297 : memref<128xi32, #tpu.memory_space<vmem>>) semaphore(%arg12 : memref<!tpu.dma_semaphore, #tpu.memory_space<semaphore_mem>>)
      %dma_start3A_301 = arith.constant 12 : i32
      %dma_start3A_302 = arith.constant 1536 : i32
      %dma_start3A_303 = arith.constant 0 : i32
      %dma_start3A_304 = tpu.memref_slice %arg10[%dma_start3A_302, %dma_start3A_303] : memref<1792x16xf32, #tpu.memory_space<vmem>> -> memref<128x16xf32, #tpu.memory_space<vmem>>
      %dma_start3A_305 = arith.constant 0 : i32
      %dma_start3A_306 = tpu.memref_slice %arg8[%dma_start3A_301, %dma_start3A_305] : memref<14x128xi32, #tpu.memory_space<vmem>> -> memref<1x128xi32, #tpu.memory_space<vmem>>
      %dma_start3A_307 = tpu.memref_squeeze %dma_start3A_306 : memref<1x128xi32, #tpu.memory_space<vmem>> -> memref<128xi32, #tpu.memory_space<vmem>>
      %dma_start3A_308 = arith.constant 0 : i32
      %dma_start3A_309 = arith.constant 0 : i32
      %dma_start3A_310 = tpu.memref_slice %arg4[%dma_start3A_308, %dma_start3A_309] : memref<65000x16xf32, #tpu.memory_space<hbm>> -> memref<65000x16xf32, #tpu.memory_space<hbm>>
      tpu.enqueue_indirect_dma source(%dma_start3A_310 : memref<65000x16xf32, #tpu.memory_space<hbm>>) target(%dma_start3A_304 : memref<128x16xf32, #tpu.memory_space<vmem>>) offsets(%dma_start3A_307 : memref<128xi32, #tpu.memory_space<vmem>>) semaphore(%arg12 : memref<!tpu.dma_semaphore, #tpu.memory_space<semaphore_mem>>)
      %mul3A_311 = arith.constant 14 : i32
      %mul3A_312 = arith.muli %scan3A_7, %mul3A_311 : i32
      %add3A_313 = arith.constant 13 : i32
      %add3A_314 = arith.addi %mul3A_312, %add3A_313 : i32
      %dma_start3A_315 = arith.constant 1664 : i32
      %dma_start3A_316 = arith.constant 0 : i32
      %dma_start3A_317 = tpu.memref_slice %arg9[%dma_start3A_315, %dma_start3A_316] : memref<1792x32xf32, #tpu.memory_space<vmem>> -> memref<128x32xf32, #tpu.memory_space<vmem>>
      %dma_start3A_318 = arith.constant 0 : i32
      %dma_start3A_319 = tpu.memref_slice %arg7[%add3A_314, %dma_start3A_318] : memref<112x128xi32, #tpu.memory_space<vmem>> -> memref<1x128xi32, #tpu.memory_space<vmem>>
      %dma_start3A_320 = tpu.memref_squeeze %dma_start3A_319 : memref<1x128xi32, #tpu.memory_space<vmem>> -> memref<128xi32, #tpu.memory_space<vmem>>
      %dma_start3A_321 = arith.constant 0 : i32
      %dma_start3A_322 = arith.constant 0 : i32
      %dma_start3A_323 = tpu.memref_slice %arg3[%dma_start3A_321, %dma_start3A_322] : memref<1040000x32xf32, #tpu.memory_space<hbm>> -> memref<1040000x32xf32, #tpu.memory_space<hbm>>
      tpu.enqueue_indirect_dma source(%dma_start3A_323 : memref<1040000x32xf32, #tpu.memory_space<hbm>>) target(%dma_start3A_317 : memref<128x32xf32, #tpu.memory_space<vmem>>) offsets(%dma_start3A_320 : memref<128xi32, #tpu.memory_space<vmem>>) semaphore(%arg12 : memref<!tpu.dma_semaphore, #tpu.memory_space<semaphore_mem>>)
      %dma_start3A_324 = arith.constant 13 : i32
      %dma_start3A_325 = arith.constant 1664 : i32
      %dma_start3A_326 = arith.constant 0 : i32
      %dma_start3A_327 = tpu.memref_slice %arg10[%dma_start3A_325, %dma_start3A_326] : memref<1792x16xf32, #tpu.memory_space<vmem>> -> memref<128x16xf32, #tpu.memory_space<vmem>>
      %dma_start3A_328 = arith.constant 0 : i32
      %dma_start3A_329 = tpu.memref_slice %arg8[%dma_start3A_324, %dma_start3A_328] : memref<14x128xi32, #tpu.memory_space<vmem>> -> memref<1x128xi32, #tpu.memory_space<vmem>>
      %dma_start3A_330 = tpu.memref_squeeze %dma_start3A_329 : memref<1x128xi32, #tpu.memory_space<vmem>> -> memref<128xi32, #tpu.memory_space<vmem>>
      %dma_start3A_331 = arith.constant 0 : i32
      %dma_start3A_332 = arith.constant 0 : i32
      %dma_start3A_333 = tpu.memref_slice %arg4[%dma_start3A_331, %dma_start3A_332] : memref<65000x16xf32, #tpu.memory_space<hbm>> -> memref<65000x16xf32, #tpu.memory_space<hbm>>
      tpu.enqueue_indirect_dma source(%dma_start3A_333 : memref<65000x16xf32, #tpu.memory_space<hbm>>) target(%dma_start3A_327 : memref<128x16xf32, #tpu.memory_space<vmem>>) offsets(%dma_start3A_330 : memref<128xi32, #tpu.memory_space<vmem>>) semaphore(%arg12 : memref<!tpu.dma_semaphore, #tpu.memory_space<semaphore_mem>>)
      %dma_wait3A = arith.constant 0 : i32
      %dma_wait3A_334 = arith.constant 0 : i32
      %dma_wait3A_335 = tpu.memref_slice %arg9[%dma_wait3A, %dma_wait3A_334] : memref<1792x32xf32, #tpu.memory_space<vmem>> -> memref<128x32xf32, #tpu.memory_space<vmem>>
      %dma_wait3A_336 = arith.constant 0 : i32
      %dma_wait3A_337 = tpu.memref_slice %arg7[%add3A_16, %dma_wait3A_336] : memref<112x128xi32, #tpu.memory_space<vmem>> -> memref<1x128xi32, #tpu.memory_space<vmem>>
      %dma_wait3A_338 = tpu.memref_squeeze %dma_wait3A_337 : memref<1x128xi32, #tpu.memory_space<vmem>> -> memref<128xi32, #tpu.memory_space<vmem>>
      %dma_wait3A_339 = arith.constant 0 : i32
      %dma_wait3A_340 = arith.constant 0 : i32
      %dma_wait3A_341 = tpu.memref_slice %arg3[%dma_wait3A_339, %dma_wait3A_340] : memref<1040000x32xf32, #tpu.memory_space<hbm>> -> memref<1040000x32xf32, #tpu.memory_space<hbm>>
      tpu.wait_indirect_dma semaphore(%arg12 : memref<!tpu.dma_semaphore, #tpu.memory_space<semaphore_mem>>) src(%dma_wait3A_341 : memref<1040000x32xf32, #tpu.memory_space<hbm>>) dst(%dma_wait3A_335 : memref<128x32xf32, #tpu.memory_space<vmem>>)
      %dma_wait3A_342 = arith.constant 0 : i32
      %dma_wait3A_343 = arith.constant 0 : i32
      %dma_wait3A_344 = arith.constant 0 : i32
      %dma_wait3A_345 = tpu.memref_slice %arg10[%dma_wait3A_343, %dma_wait3A_344] : memref<1792x16xf32, #tpu.memory_space<vmem>> -> memref<128x16xf32, #tpu.memory_space<vmem>>
      %dma_wait3A_346 = arith.constant 0 : i32
      %dma_wait3A_347 = tpu.memref_slice %arg8[%dma_wait3A_342, %dma_wait3A_346] : memref<14x128xi32, #tpu.memory_space<vmem>> -> memref<1x128xi32, #tpu.memory_space<vmem>>
      %dma_wait3A_348 = tpu.memref_squeeze %dma_wait3A_347 : memref<1x128xi32, #tpu.memory_space<vmem>> -> memref<128xi32, #tpu.memory_space<vmem>>
      %dma_wait3A_349 = arith.constant 0 : i32
      %dma_wait3A_350 = arith.constant 0 : i32
      %dma_wait3A_351 = tpu.memref_slice %arg4[%dma_wait3A_349, %dma_wait3A_350] : memref<65000x16xf32, #tpu.memory_space<hbm>> -> memref<65000x16xf32, #tpu.memory_space<hbm>>
      tpu.wait_indirect_dma semaphore(%arg12 : memref<!tpu.dma_semaphore, #tpu.memory_space<semaphore_mem>>) src(%dma_wait3A_351 : memref<65000x16xf32, #tpu.memory_space<hbm>>) dst(%dma_wait3A_345 : memref<128x16xf32, #tpu.memory_space<vmem>>)
      %dma_wait3A_352 = arith.constant 128 : i32
      %dma_wait3A_353 = arith.constant 0 : i32
      %dma_wait3A_354 = tpu.memref_slice %arg9[%dma_wait3A_352, %dma_wait3A_353] : memref<1792x32xf32, #tpu.memory_space<vmem>> -> memref<128x32xf32, #tpu.memory_space<vmem>>
      %dma_wait3A_355 = arith.constant 0 : i32
      %dma_wait3A_356 = tpu.memref_slice %arg7[%add3A_38, %dma_wait3A_355] : memref<112x128xi32, #tpu.memory_space<vmem>> -> memref<1x128xi32, #tpu.memory_space<vmem>>
      %dma_wait3A_357 = tpu.memref_squeeze %dma_wait3A_356 : memref<1x128xi32, #tpu.memory_space<vmem>> -> memref<128xi32, #tpu.memory_space<vmem>>
      %dma_wait3A_358 = arith.constant 0 : i32
      %dma_wait3A_359 = arith.constant 0 : i32
      %dma_wait3A_360 = tpu.memref_slice %arg3[%dma_wait3A_358, %dma_wait3A_359] : memref<1040000x32xf32, #tpu.memory_space<hbm>> -> memref<1040000x32xf32, #tpu.memory_space<hbm>>
      tpu.wait_indirect_dma semaphore(%arg12 : memref<!tpu.dma_semaphore, #tpu.memory_space<semaphore_mem>>) src(%dma_wait3A_360 : memref<1040000x32xf32, #tpu.memory_space<hbm>>) dst(%dma_wait3A_354 : memref<128x32xf32, #tpu.memory_space<vmem>>)
      %dma_wait3A_361 = arith.constant 1 : i32
      %dma_wait3A_362 = arith.constant 128 : i32
      %dma_wait3A_363 = arith.constant 0 : i32
      %dma_wait3A_364 = tpu.memref_slice %arg10[%dma_wait3A_362, %dma_wait3A_363] : memref<1792x16xf32, #tpu.memory_space<vmem>> -> memref<128x16xf32, #tpu.memory_space<vmem>>
      %dma_wait3A_365 = arith.constant 0 : i32
      %dma_wait3A_366 = tpu.memref_slice %arg8[%dma_wait3A_361, %dma_wait3A_365] : memref<14x128xi32, #tpu.memory_space<vmem>> -> memref<1x128xi32, #tpu.memory_space<vmem>>
      %dma_wait3A_367 = tpu.memref_squeeze %dma_wait3A_366 : memref<1x128xi32, #tpu.memory_space<vmem>> -> memref<128xi32, #tpu.memory_space<vmem>>
      %dma_wait3A_368 = arith.constant 0 : i32
      %dma_wait3A_369 = arith.constant 0 : i32
      %dma_wait3A_370 = tpu.memref_slice %arg4[%dma_wait3A_368, %dma_wait3A_369] : memref<65000x16xf32, #tpu.memory_space<hbm>> -> memref<65000x16xf32, #tpu.memory_space<hbm>>
      tpu.wait_indirect_dma semaphore(%arg12 : memref<!tpu.dma_semaphore, #tpu.memory_space<semaphore_mem>>) src(%dma_wait3A_370 : memref<65000x16xf32, #tpu.memory_space<hbm>>) dst(%dma_wait3A_364 : memref<128x16xf32, #tpu.memory_space<vmem>>)
      %dma_wait3A_371 = arith.constant 256 : i32
      %dma_wait3A_372 = arith.constant 0 : i32
      %dma_wait3A_373 = tpu.memref_slice %arg9[%dma_wait3A_371, %dma_wait3A_372] : memref<1792x32xf32, #tpu.memory_space<vmem>> -> memref<128x32xf32, #tpu.memory_space<vmem>>
      %dma_wait3A_374 = arith.constant 0 : i32
      %dma_wait3A_375 = tpu.memref_slice %arg7[%add3A_61, %dma_wait3A_374] : memref<112x128xi32, #tpu.memory_space<vmem>> -> memref<1x128xi32, #tpu.memory_space<vmem>>
      %dma_wait3A_376 = tpu.memref_squeeze %dma_wait3A_375 : memref<1x128xi32, #tpu.memory_space<vmem>> -> memref<128xi32, #tpu.memory_space<vmem>>
      %dma_wait3A_377 = arith.constant 0 : i32
      %dma_wait3A_378 = arith.constant 0 : i32
      %dma_wait3A_379 = tpu.memref_slice %arg3[%dma_wait3A_377, %dma_wait3A_378] : memref<1040000x32xf32, #tpu.memory_space<hbm>> -> memref<1040000x32xf32, #tpu.memory_space<hbm>>
      tpu.wait_indirect_dma semaphore(%arg12 : memref<!tpu.dma_semaphore, #tpu.memory_space<semaphore_mem>>) src(%dma_wait3A_379 : memref<1040000x32xf32, #tpu.memory_space<hbm>>) dst(%dma_wait3A_373 : memref<128x32xf32, #tpu.memory_space<vmem>>)
      %dma_wait3A_380 = arith.constant 2 : i32
      %dma_wait3A_381 = arith.constant 256 : i32
      %dma_wait3A_382 = arith.constant 0 : i32
      %dma_wait3A_383 = tpu.memref_slice %arg10[%dma_wait3A_381, %dma_wait3A_382] : memref<1792x16xf32, #tpu.memory_space<vmem>> -> memref<128x16xf32, #tpu.memory_space<vmem>>
      %dma_wait3A_384 = arith.constant 0 : i32
      %dma_wait3A_385 = tpu.memref_slice %arg8[%dma_wait3A_380, %dma_wait3A_384] : memref<14x128xi32, #tpu.memory_space<vmem>> -> memref<1x128xi32, #tpu.memory_space<vmem>>
      %dma_wait3A_386 = tpu.memref_squeeze %dma_wait3A_385 : memref<1x128xi32, #tpu.memory_space<vmem>> -> memref<128xi32, #tpu.memory_space<vmem>>
      %dma_wait3A_387 = arith.constant 0 : i32
      %dma_wait3A_388 = arith.constant 0 : i32
      %dma_wait3A_389 = tpu.memref_slice %arg4[%dma_wait3A_387, %dma_wait3A_388] : memref<65000x16xf32, #tpu.memory_space<hbm>> -> memref<65000x16xf32, #tpu.memory_space<hbm>>
      tpu.wait_indirect_dma semaphore(%arg12 : memref<!tpu.dma_semaphore, #tpu.memory_space<semaphore_mem>>) src(%dma_wait3A_389 : memref<65000x16xf32, #tpu.memory_space<hbm>>) dst(%dma_wait3A_383 : memref<128x16xf32, #tpu.memory_space<vmem>>)
      %dma_wait3A_390 = arith.constant 384 : i32
      %dma_wait3A_391 = arith.constant 0 : i32
      %dma_wait3A_392 = tpu.memref_slice %arg9[%dma_wait3A_390, %dma_wait3A_391] : memref<1792x32xf32, #tpu.memory_space<vmem>> -> memref<128x32xf32, #tpu.memory_space<vmem>>
      %dma_wait3A_393 = arith.constant 0 : i32
      %dma_wait3A_394 = tpu.memref_slice %arg7[%add3A_84, %dma_wait3A_393] : memref<112x128xi32, #tpu.memory_space<vmem>> -> memref<1x128xi32, #tpu.memory_space<vmem>>
      %dma_wait3A_395 = tpu.memref_squeeze %dma_wait3A_394 : memref<1x128xi32, #tpu.memory_space<vmem>> -> memref<128xi32, #tpu.memory_space<vmem>>
      %dma_wait3A_396 = arith.constant 0 : i32
      %dma_wait3A_397 = arith.constant 0 : i32
      %dma_wait3A_398 = tpu.memref_slice %arg3[%dma_wait3A_396, %dma_wait3A_397] : memref<1040000x32xf32, #tpu.memory_space<hbm>> -> memref<1040000x32xf32, #tpu.memory_space<hbm>>
      tpu.wait_indirect_dma semaphore(%arg12 : memref<!tpu.dma_semaphore, #tpu.memory_space<semaphore_mem>>) src(%dma_wait3A_398 : memref<1040000x32xf32, #tpu.memory_space<hbm>>) dst(%dma_wait3A_392 : memref<128x32xf32, #tpu.memory_space<vmem>>)
      %dma_wait3A_399 = arith.constant 3 : i32
      %dma_wait3A_400 = arith.constant 384 : i32
      %dma_wait3A_401 = arith.constant 0 : i32
      %dma_wait3A_402 = tpu.memref_slice %arg10[%dma_wait3A_400, %dma_wait3A_401] : memref<1792x16xf32, #tpu.memory_space<vmem>> -> memref<128x16xf32, #tpu.memory_space<vmem>>
      %dma_wait3A_403 = arith.constant 0 : i32
      %dma_wait3A_404 = tpu.memref_slice %arg8[%dma_wait3A_399, %dma_wait3A_403] : memref<14x128xi32, #tpu.memory_space<vmem>> -> memref<1x128xi32, #tpu.memory_space<vmem>>
      %dma_wait3A_405 = tpu.memref_squeeze %dma_wait3A_404 : memref<1x128xi32, #tpu.memory_space<vmem>> -> memref<128xi32, #tpu.memory_space<vmem>>
      %dma_wait3A_406 = arith.constant 0 : i32
      %dma_wait3A_407 = arith.constant 0 : i32
      %dma_wait3A_408 = tpu.memref_slice %arg4[%dma_wait3A_406, %dma_wait3A_407] : memref<65000x16xf32, #tpu.memory_space<hbm>> -> memref<65000x16xf32, #tpu.memory_space<hbm>>
      tpu.wait_indirect_dma semaphore(%arg12 : memref<!tpu.dma_semaphore, #tpu.memory_space<semaphore_mem>>) src(%dma_wait3A_408 : memref<65000x16xf32, #tpu.memory_space<hbm>>) dst(%dma_wait3A_402 : memref<128x16xf32, #tpu.memory_space<vmem>>)
      %dma_wait3A_409 = arith.constant 512 : i32
      %dma_wait3A_410 = arith.constant 0 : i32
      %dma_wait3A_411 = tpu.memref_slice %arg9[%dma_wait3A_409, %dma_wait3A_410] : memref<1792x32xf32, #tpu.memory_space<vmem>> -> memref<128x32xf32, #tpu.memory_space<vmem>>
      %dma_wait3A_412 = arith.constant 0 : i32
      %dma_wait3A_413 = tpu.memref_slice %arg7[%add3A_107, %dma_wait3A_412] : memref<112x128xi32, #tpu.memory_space<vmem>> -> memref<1x128xi32, #tpu.memory_space<vmem>>
      %dma_wait3A_414 = tpu.memref_squeeze %dma_wait3A_413 : memref<1x128xi32, #tpu.memory_space<vmem>> -> memref<128xi32, #tpu.memory_space<vmem>>
      %dma_wait3A_415 = arith.constant 0 : i32
      %dma_wait3A_416 = arith.constant 0 : i32
      %dma_wait3A_417 = tpu.memref_slice %arg3[%dma_wait3A_415, %dma_wait3A_416] : memref<1040000x32xf32, #tpu.memory_space<hbm>> -> memref<1040000x32xf32, #tpu.memory_space<hbm>>
      tpu.wait_indirect_dma semaphore(%arg12 : memref<!tpu.dma_semaphore, #tpu.memory_space<semaphore_mem>>) src(%dma_wait3A_417 : memref<1040000x32xf32, #tpu.memory_space<hbm>>) dst(%dma_wait3A_411 : memref<128x32xf32, #tpu.memory_space<vmem>>)
      %dma_wait3A_418 = arith.constant 4 : i32
      %dma_wait3A_419 = arith.constant 512 : i32
      %dma_wait3A_420 = arith.constant 0 : i32
      %dma_wait3A_421 = tpu.memref_slice %arg10[%dma_wait3A_419, %dma_wait3A_420] : memref<1792x16xf32, #tpu.memory_space<vmem>> -> memref<128x16xf32, #tpu.memory_space<vmem>>
      %dma_wait3A_422 = arith.constant 0 : i32
      %dma_wait3A_423 = tpu.memref_slice %arg8[%dma_wait3A_418, %dma_wait3A_422] : memref<14x128xi32, #tpu.memory_space<vmem>> -> memref<1x128xi32, #tpu.memory_space<vmem>>
      %dma_wait3A_424 = tpu.memref_squeeze %dma_wait3A_423 : memref<1x128xi32, #tpu.memory_space<vmem>> -> memref<128xi32, #tpu.memory_space<vmem>>
      %dma_wait3A_425 = arith.constant 0 : i32
      %dma_wait3A_426 = arith.constant 0 : i32
      %dma_wait3A_427 = tpu.memref_slice %arg4[%dma_wait3A_425, %dma_wait3A_426] : memref<65000x16xf32, #tpu.memory_space<hbm>> -> memref<65000x16xf32, #tpu.memory_space<hbm>>
      tpu.wait_indirect_dma semaphore(%arg12 : memref<!tpu.dma_semaphore, #tpu.memory_space<semaphore_mem>>) src(%dma_wait3A_427 : memref<65000x16xf32, #tpu.memory_space<hbm>>) dst(%dma_wait3A_421 : memref<128x16xf32, #tpu.memory_space<vmem>>)
      %dma_wait3A_428 = arith.constant 640 : i32
      %dma_wait3A_429 = arith.constant 0 : i32
      %dma_wait3A_430 = tpu.memref_slice %arg9[%dma_wait3A_428, %dma_wait3A_429] : memref<1792x32xf32, #tpu.memory_space<vmem>> -> memref<128x32xf32, #tpu.memory_space<vmem>>
      %dma_wait3A_431 = arith.constant 0 : i32
      %dma_wait3A_432 = tpu.memref_slice %arg7[%add3A_130, %dma_wait3A_431] : memref<112x128xi32, #tpu.memory_space<vmem>> -> memref<1x128xi32, #tpu.memory_space<vmem>>
      %dma_wait3A_433 = tpu.memref_squeeze %dma_wait3A_432 : memref<1x128xi32, #tpu.memory_space<vmem>> -> memref<128xi32, #tpu.memory_space<vmem>>
      %dma_wait3A_434 = arith.constant 0 : i32
      %dma_wait3A_435 = arith.constant 0 : i32
      %dma_wait3A_436 = tpu.memref_slice %arg3[%dma_wait3A_434, %dma_wait3A_435] : memref<1040000x32xf32, #tpu.memory_space<hbm>> -> memref<1040000x32xf32, #tpu.memory_space<hbm>>
      tpu.wait_indirect_dma semaphore(%arg12 : memref<!tpu.dma_semaphore, #tpu.memory_space<semaphore_mem>>) src(%dma_wait3A_436 : memref<1040000x32xf32, #tpu.memory_space<hbm>>) dst(%dma_wait3A_430 : memref<128x32xf32, #tpu.memory_space<vmem>>)
      %dma_wait3A_437 = arith.constant 5 : i32
      %dma_wait3A_438 = arith.constant 640 : i32
      %dma_wait3A_439 = arith.constant 0 : i32
      %dma_wait3A_440 = tpu.memref_slice %arg10[%dma_wait3A_438, %dma_wait3A_439] : memref<1792x16xf32, #tpu.memory_space<vmem>> -> memref<128x16xf32, #tpu.memory_space<vmem>>
      %dma_wait3A_441 = arith.constant 0 : i32
      %dma_wait3A_442 = tpu.memref_slice %arg8[%dma_wait3A_437, %dma_wait3A_441] : memref<14x128xi32, #tpu.memory_space<vmem>> -> memref<1x128xi32, #tpu.memory_space<vmem>>
      %dma_wait3A_443 = tpu.memref_squeeze %dma_wait3A_442 : memref<1x128xi32, #tpu.memory_space<vmem>> -> memref<128xi32, #tpu.memory_space<vmem>>
      %dma_wait3A_444 = arith.constant 0 : i32
      %dma_wait3A_445 = arith.constant 0 : i32
      %dma_wait3A_446 = tpu.memref_slice %arg4[%dma_wait3A_444, %dma_wait3A_445] : memref<65000x16xf32, #tpu.memory_space<hbm>> -> memref<65000x16xf32, #tpu.memory_space<hbm>>
      tpu.wait_indirect_dma semaphore(%arg12 : memref<!tpu.dma_semaphore, #tpu.memory_space<semaphore_mem>>) src(%dma_wait3A_446 : memref<65000x16xf32, #tpu.memory_space<hbm>>) dst(%dma_wait3A_440 : memref<128x16xf32, #tpu.memory_space<vmem>>)
      %dma_wait3A_447 = arith.constant 768 : i32
      %dma_wait3A_448 = arith.constant 0 : i32
      %dma_wait3A_449 = tpu.memref_slice %arg9[%dma_wait3A_447, %dma_wait3A_448] : memref<1792x32xf32, #tpu.memory_space<vmem>> -> memref<128x32xf32, #tpu.memory_space<vmem>>
      %dma_wait3A_450 = arith.constant 0 : i32
      %dma_wait3A_451 = tpu.memref_slice %arg7[%add3A_153, %dma_wait3A_450] : memref<112x128xi32, #tpu.memory_space<vmem>> -> memref<1x128xi32, #tpu.memory_space<vmem>>
      %dma_wait3A_452 = tpu.memref_squeeze %dma_wait3A_451 : memref<1x128xi32, #tpu.memory_space<vmem>> -> memref<128xi32, #tpu.memory_space<vmem>>
      %dma_wait3A_453 = arith.constant 0 : i32
      %dma_wait3A_454 = arith.constant 0 : i32
      %dma_wait3A_455 = tpu.memref_slice %arg3[%dma_wait3A_453, %dma_wait3A_454] : memref<1040000x32xf32, #tpu.memory_space<hbm>> -> memref<1040000x32xf32, #tpu.memory_space<hbm>>
      tpu.wait_indirect_dma semaphore(%arg12 : memref<!tpu.dma_semaphore, #tpu.memory_space<semaphore_mem>>) src(%dma_wait3A_455 : memref<1040000x32xf32, #tpu.memory_space<hbm>>) dst(%dma_wait3A_449 : memref<128x32xf32, #tpu.memory_space<vmem>>)
      %dma_wait3A_456 = arith.constant 6 : i32
      %dma_wait3A_457 = arith.constant 768 : i32
      %dma_wait3A_458 = arith.constant 0 : i32
      %dma_wait3A_459 = tpu.memref_slice %arg10[%dma_wait3A_457, %dma_wait3A_458] : memref<1792x16xf32, #tpu.memory_space<vmem>> -> memref<128x16xf32, #tpu.memory_space<vmem>>
      %dma_wait3A_460 = arith.constant 0 : i32
      %dma_wait3A_461 = tpu.memref_slice %arg8[%dma_wait3A_456, %dma_wait3A_460] : memref<14x128xi32, #tpu.memory_space<vmem>> -> memref<1x128xi32, #tpu.memory_space<vmem>>
      %dma_wait3A_462 = tpu.memref_squeeze %dma_wait3A_461 : memref<1x128xi32, #tpu.memory_space<vmem>> -> memref<128xi32, #tpu.memory_space<vmem>>
      %dma_wait3A_463 = arith.constant 0 : i32
      %dma_wait3A_464 = arith.constant 0 : i32
      %dma_wait3A_465 = tpu.memref_slice %arg4[%dma_wait3A_463, %dma_wait3A_464] : memref<65000x16xf32, #tpu.memory_space<hbm>> -> memref<65000x16xf32, #tpu.memory_space<hbm>>
      tpu.wait_indirect_dma semaphore(%arg12 : memref<!tpu.dma_semaphore, #tpu.memory_space<semaphore_mem>>) src(%dma_wait3A_465 : memref<65000x16xf32, #tpu.memory_space<hbm>>) dst(%dma_wait3A_459 : memref<128x16xf32, #tpu.memory_space<vmem>>)
      %dma_wait3A_466 = arith.constant 896 : i32
      %dma_wait3A_467 = arith.constant 0 : i32
      %dma_wait3A_468 = tpu.memref_slice %arg9[%dma_wait3A_466, %dma_wait3A_467] : memref<1792x32xf32, #tpu.memory_space<vmem>> -> memref<128x32xf32, #tpu.memory_space<vmem>>
      %dma_wait3A_469 = arith.constant 0 : i32
      %dma_wait3A_470 = tpu.memref_slice %arg7[%add3A_176, %dma_wait3A_469] : memref<112x128xi32, #tpu.memory_space<vmem>> -> memref<1x128xi32, #tpu.memory_space<vmem>>
      %dma_wait3A_471 = tpu.memref_squeeze %dma_wait3A_470 : memref<1x128xi32, #tpu.memory_space<vmem>> -> memref<128xi32, #tpu.memory_space<vmem>>
      %dma_wait3A_472 = arith.constant 0 : i32
      %dma_wait3A_473 = arith.constant 0 : i32
      %dma_wait3A_474 = tpu.memref_slice %arg3[%dma_wait3A_472, %dma_wait3A_473] : memref<1040000x32xf32, #tpu.memory_space<hbm>> -> memref<1040000x32xf32, #tpu.memory_space<hbm>>
      tpu.wait_indirect_dma semaphore(%arg12 : memref<!tpu.dma_semaphore, #tpu.memory_space<semaphore_mem>>) src(%dma_wait3A_474 : memref<1040000x32xf32, #tpu.memory_space<hbm>>) dst(%dma_wait3A_468 : memref<128x32xf32, #tpu.memory_space<vmem>>)
      %dma_wait3A_475 = arith.constant 7 : i32
      %dma_wait3A_476 = arith.constant 896 : i32
      %dma_wait3A_477 = arith.constant 0 : i32
      %dma_wait3A_478 = tpu.memref_slice %arg10[%dma_wait3A_476, %dma_wait3A_477] : memref<1792x16xf32, #tpu.memory_space<vmem>> -> memref<128x16xf32, #tpu.memory_space<vmem>>
      %dma_wait3A_479 = arith.constant 0 : i32
      %dma_wait3A_480 = tpu.memref_slice %arg8[%dma_wait3A_475, %dma_wait3A_479] : memref<14x128xi32, #tpu.memory_space<vmem>> -> memref<1x128xi32, #tpu.memory_space<vmem>>
      %dma_wait3A_481 = tpu.memref_squeeze %dma_wait3A_480 : memref<1x128xi32, #tpu.memory_space<vmem>> -> memref<128xi32, #tpu.memory_space<vmem>>
      %dma_wait3A_482 = arith.constant 0 : i32
      %dma_wait3A_483 = arith.constant 0 : i32
      %dma_wait3A_484 = tpu.memref_slice %arg4[%dma_wait3A_482, %dma_wait3A_483] : memref<65000x16xf32, #tpu.memory_space<hbm>> -> memref<65000x16xf32, #tpu.memory_space<hbm>>
      tpu.wait_indirect_dma semaphore(%arg12 : memref<!tpu.dma_semaphore, #tpu.memory_space<semaphore_mem>>) src(%dma_wait3A_484 : memref<65000x16xf32, #tpu.memory_space<hbm>>) dst(%dma_wait3A_478 : memref<128x16xf32, #tpu.memory_space<vmem>>)
      %dma_wait3A_485 = arith.constant 1024 : i32
      %dma_wait3A_486 = arith.constant 0 : i32
      %dma_wait3A_487 = tpu.memref_slice %arg9[%dma_wait3A_485, %dma_wait3A_486] : memref<1792x32xf32, #tpu.memory_space<vmem>> -> memref<128x32xf32, #tpu.memory_space<vmem>>
      %dma_wait3A_488 = arith.constant 0 : i32
      %dma_wait3A_489 = tpu.memref_slice %arg7[%add3A_199, %dma_wait3A_488] : memref<112x128xi32, #tpu.memory_space<vmem>> -> memref<1x128xi32, #tpu.memory_space<vmem>>
      %dma_wait3A_490 = tpu.memref_squeeze %dma_wait3A_489 : memref<1x128xi32, #tpu.memory_space<vmem>> -> memref<128xi32, #tpu.memory_space<vmem>>
      %dma_wait3A_491 = arith.constant 0 : i32
      %dma_wait3A_492 = arith.constant 0 : i32
      %dma_wait3A_493 = tpu.memref_slice %arg3[%dma_wait3A_491, %dma_wait3A_492] : memref<1040000x32xf32, #tpu.memory_space<hbm>> -> memref<1040000x32xf32, #tpu.memory_space<hbm>>
      tpu.wait_indirect_dma semaphore(%arg12 : memref<!tpu.dma_semaphore, #tpu.memory_space<semaphore_mem>>) src(%dma_wait3A_493 : memref<1040000x32xf32, #tpu.memory_space<hbm>>) dst(%dma_wait3A_487 : memref<128x32xf32, #tpu.memory_space<vmem>>)
      %dma_wait3A_494 = arith.constant 8 : i32
      %dma_wait3A_495 = arith.constant 1024 : i32
      %dma_wait3A_496 = arith.constant 0 : i32
      %dma_wait3A_497 = tpu.memref_slice %arg10[%dma_wait3A_495, %dma_wait3A_496] : memref<1792x16xf32, #tpu.memory_space<vmem>> -> memref<128x16xf32, #tpu.memory_space<vmem>>
      %dma_wait3A_498 = arith.constant 0 : i32
      %dma_wait3A_499 = tpu.memref_slice %arg8[%dma_wait3A_494, %dma_wait3A_498] : memref<14x128xi32, #tpu.memory_space<vmem>> -> memref<1x128xi32, #tpu.memory_space<vmem>>
      %dma_wait3A_500 = tpu.memref_squeeze %dma_wait3A_499 : memref<1x128xi32, #tpu.memory_space<vmem>> -> memref<128xi32, #tpu.memory_space<vmem>>
      %dma_wait3A_501 = arith.constant 0 : i32
      %dma_wait3A_502 = arith.constant 0 : i32
      %dma_wait3A_503 = tpu.memref_slice %arg4[%dma_wait3A_501, %dma_wait3A_502] : memref<65000x16xf32, #tpu.memory_space<hbm>> -> memref<65000x16xf32, #tpu.memory_space<hbm>>
      tpu.wait_indirect_dma semaphore(%arg12 : memref<!tpu.dma_semaphore, #tpu.memory_space<semaphore_mem>>) src(%dma_wait3A_503 : memref<65000x16xf32, #tpu.memory_space<hbm>>) dst(%dma_wait3A_497 : memref<128x16xf32, #tpu.memory_space<vmem>>)
      %dma_wait3A_504 = arith.constant 1152 : i32
      %dma_wait3A_505 = arith.constant 0 : i32
      %dma_wait3A_506 = tpu.memref_slice %arg9[%dma_wait3A_504, %dma_wait3A_505] : memref<1792x32xf32, #tpu.memory_space<vmem>> -> memref<128x32xf32, #tpu.memory_space<vmem>>
      %dma_wait3A_507 = arith.constant 0 : i32
      %dma_wait3A_508 = tpu.memref_slice %arg7[%add3A_222, %dma_wait3A_507] : memref<112x128xi32, #tpu.memory_space<vmem>> -> memref<1x128xi32, #tpu.memory_space<vmem>>
      %dma_wait3A_509 = tpu.memref_squeeze %dma_wait3A_508 : memref<1x128xi32, #tpu.memory_space<vmem>> -> memref<128xi32, #tpu.memory_space<vmem>>
      %dma_wait3A_510 = arith.constant 0 : i32
      %dma_wait3A_511 = arith.constant 0 : i32
      %dma_wait3A_512 = tpu.memref_slice %arg3[%dma_wait3A_510, %dma_wait3A_511] : memref<1040000x32xf32, #tpu.memory_space<hbm>> -> memref<1040000x32xf32, #tpu.memory_space<hbm>>
      tpu.wait_indirect_dma semaphore(%arg12 : memref<!tpu.dma_semaphore, #tpu.memory_space<semaphore_mem>>) src(%dma_wait3A_512 : memref<1040000x32xf32, #tpu.memory_space<hbm>>) dst(%dma_wait3A_506 : memref<128x32xf32, #tpu.memory_space<vmem>>)
      %dma_wait3A_513 = arith.constant 9 : i32
      %dma_wait3A_514 = arith.constant 1152 : i32
      %dma_wait3A_515 = arith.constant 0 : i32
      %dma_wait3A_516 = tpu.memref_slice %arg10[%dma_wait3A_514, %dma_wait3A_515] : memref<1792x16xf32, #tpu.memory_space<vmem>> -> memref<128x16xf32, #tpu.memory_space<vmem>>
      %dma_wait3A_517 = arith.constant 0 : i32
      %dma_wait3A_518 = tpu.memref_slice %arg8[%dma_wait3A_513, %dma_wait3A_517] : memref<14x128xi32, #tpu.memory_space<vmem>> -> memref<1x128xi32, #tpu.memory_space<vmem>>
      %dma_wait3A_519 = tpu.memref_squeeze %dma_wait3A_518 : memref<1x128xi32, #tpu.memory_space<vmem>> -> memref<128xi32, #tpu.memory_space<vmem>>
      %dma_wait3A_520 = arith.constant 0 : i32
      %dma_wait3A_521 = arith.constant 0 : i32
      %dma_wait3A_522 = tpu.memref_slice %arg4[%dma_wait3A_520, %dma_wait3A_521] : memref<65000x16xf32, #tpu.memory_space<hbm>> -> memref<65000x16xf32, #tpu.memory_space<hbm>>
      tpu.wait_indirect_dma semaphore(%arg12 : memref<!tpu.dma_semaphore, #tpu.memory_space<semaphore_mem>>) src(%dma_wait3A_522 : memref<65000x16xf32, #tpu.memory_space<hbm>>) dst(%dma_wait3A_516 : memref<128x16xf32, #tpu.memory_space<vmem>>)
      %dma_wait3A_523 = arith.constant 1280 : i32
      %dma_wait3A_524 = arith.constant 0 : i32
      %dma_wait3A_525 = tpu.memref_slice %arg9[%dma_wait3A_523, %dma_wait3A_524] : memref<1792x32xf32, #tpu.memory_space<vmem>> -> memref<128x32xf32, #tpu.memory_space<vmem>>
      %dma_wait3A_526 = arith.constant 0 : i32
      %dma_wait3A_527 = tpu.memref_slice %arg7[%add3A_245, %dma_wait3A_526] : memref<112x128xi32, #tpu.memory_space<vmem>> -> memref<1x128xi32, #tpu.memory_space<vmem>>
      %dma_wait3A_528 = tpu.memref_squeeze %dma_wait3A_527 : memref<1x128xi32, #tpu.memory_space<vmem>> -> memref<128xi32, #tpu.memory_space<vmem>>
      %dma_wait3A_529 = arith.constant 0 : i32
      %dma_wait3A_530 = arith.constant 0 : i32
      %dma_wait3A_531 = tpu.memref_slice %arg3[%dma_wait3A_529, %dma_wait3A_530] : memref<1040000x32xf32, #tpu.memory_space<hbm>> -> memref<1040000x32xf32, #tpu.memory_space<hbm>>
      tpu.wait_indirect_dma semaphore(%arg12 : memref<!tpu.dma_semaphore, #tpu.memory_space<semaphore_mem>>) src(%dma_wait3A_531 : memref<1040000x32xf32, #tpu.memory_space<hbm>>) dst(%dma_wait3A_525 : memref<128x32xf32, #tpu.memory_space<vmem>>)
      %dma_wait3A_532 = arith.constant 10 : i32
      %dma_wait3A_533 = arith.constant 1280 : i32
      %dma_wait3A_534 = arith.constant 0 : i32
      %dma_wait3A_535 = tpu.memref_slice %arg10[%dma_wait3A_533, %dma_wait3A_534] : memref<1792x16xf32, #tpu.memory_space<vmem>> -> memref<128x16xf32, #tpu.memory_space<vmem>>
      %dma_wait3A_536 = arith.constant 0 : i32
      %dma_wait3A_537 = tpu.memref_slice %arg8[%dma_wait3A_532, %dma_wait3A_536] : memref<14x128xi32, #tpu.memory_space<vmem>> -> memref<1x128xi32, #tpu.memory_space<vmem>>
      %dma_wait3A_538 = tpu.memref_squeeze %dma_wait3A_537 : memref<1x128xi32, #tpu.memory_space<vmem>> -> memref<128xi32, #tpu.memory_space<vmem>>
      %dma_wait3A_539 = arith.constant 0 : i32
      %dma_wait3A_540 = arith.constant 0 : i32
      %dma_wait3A_541 = tpu.memref_slice %arg4[%dma_wait3A_539, %dma_wait3A_540] : memref<65000x16xf32, #tpu.memory_space<hbm>> -> memref<65000x16xf32, #tpu.memory_space<hbm>>
      tpu.wait_indirect_dma semaphore(%arg12 : memref<!tpu.dma_semaphore, #tpu.memory_space<semaphore_mem>>) src(%dma_wait3A_541 : memref<65000x16xf32, #tpu.memory_space<hbm>>) dst(%dma_wait3A_535 : memref<128x16xf32, #tpu.memory_space<vmem>>)
      %dma_wait3A_542 = arith.constant 1408 : i32
      %dma_wait3A_543 = arith.constant 0 : i32
      %dma_wait3A_544 = tpu.memref_slice %arg9[%dma_wait3A_542, %dma_wait3A_543] : memref<1792x32xf32, #tpu.memory_space<vmem>> -> memref<128x32xf32, #tpu.memory_space<vmem>>
      %dma_wait3A_545 = arith.constant 0 : i32
      %dma_wait3A_546 = tpu.memref_slice %arg7[%add3A_268, %dma_wait3A_545] : memref<112x128xi32, #tpu.memory_space<vmem>> -> memref<1x128xi32, #tpu.memory_space<vmem>>
      %dma_wait3A_547 = tpu.memref_squeeze %dma_wait3A_546 : memref<1x128xi32, #tpu.memory_space<vmem>> -> memref<128xi32, #tpu.memory_space<vmem>>
      %dma_wait3A_548 = arith.constant 0 : i32
      %dma_wait3A_549 = arith.constant 0 : i32
      %dma_wait3A_550 = tpu.memref_slice %arg3[%dma_wait3A_548, %dma_wait3A_549] : memref<1040000x32xf32, #tpu.memory_space<hbm>> -> memref<1040000x32xf32, #tpu.memory_space<hbm>>
      tpu.wait_indirect_dma semaphore(%arg12 : memref<!tpu.dma_semaphore, #tpu.memory_space<semaphore_mem>>) src(%dma_wait3A_550 : memref<1040000x32xf32, #tpu.memory_space<hbm>>) dst(%dma_wait3A_544 : memref<128x32xf32, #tpu.memory_space<vmem>>)
      %dma_wait3A_551 = arith.constant 11 : i32
      %dma_wait3A_552 = arith.constant 1408 : i32
      %dma_wait3A_553 = arith.constant 0 : i32
      %dma_wait3A_554 = tpu.memref_slice %arg10[%dma_wait3A_552, %dma_wait3A_553] : memref<1792x16xf32, #tpu.memory_space<vmem>> -> memref<128x16xf32, #tpu.memory_space<vmem>>
      %dma_wait3A_555 = arith.constant 0 : i32
      %dma_wait3A_556 = tpu.memref_slice %arg8[%dma_wait3A_551, %dma_wait3A_555] : memref<14x128xi32, #tpu.memory_space<vmem>> -> memref<1x128xi32, #tpu.memory_space<vmem>>
      %dma_wait3A_557 = tpu.memref_squeeze %dma_wait3A_556 : memref<1x128xi32, #tpu.memory_space<vmem>> -> memref<128xi32, #tpu.memory_space<vmem>>
      %dma_wait3A_558 = arith.constant 0 : i32
      %dma_wait3A_559 = arith.constant 0 : i32
      %dma_wait3A_560 = tpu.memref_slice %arg4[%dma_wait3A_558, %dma_wait3A_559] : memref<65000x16xf32, #tpu.memory_space<hbm>> -> memref<65000x16xf32, #tpu.memory_space<hbm>>
      tpu.wait_indirect_dma semaphore(%arg12 : memref<!tpu.dma_semaphore, #tpu.memory_space<semaphore_mem>>) src(%dma_wait3A_560 : memref<65000x16xf32, #tpu.memory_space<hbm>>) dst(%dma_wait3A_554 : memref<128x16xf32, #tpu.memory_space<vmem>>)
      %dma_wait3A_561 = arith.constant 1536 : i32
      %dma_wait3A_562 = arith.constant 0 : i32
      %dma_wait3A_563 = tpu.memref_slice %arg9[%dma_wait3A_561, %dma_wait3A_562] : memref<1792x32xf32, #tpu.memory_space<vmem>> -> memref<128x32xf32, #tpu.memory_space<vmem>>
      %dma_wait3A_564 = arith.constant 0 : i32
      %dma_wait3A_565 = tpu.memref_slice %arg7[%add3A_291, %dma_wait3A_564] : memref<112x128xi32, #tpu.memory_space<vmem>> -> memref<1x128xi32, #tpu.memory_space<vmem>>
      %dma_wait3A_566 = tpu.memref_squeeze %dma_wait3A_565 : memref<1x128xi32, #tpu.memory_space<vmem>> -> memref<128xi32, #tpu.memory_space<vmem>>
      %dma_wait3A_567 = arith.constant 0 : i32
      %dma_wait3A_568 = arith.constant 0 : i32
      %dma_wait3A_569 = tpu.memref_slice %arg3[%dma_wait3A_567, %dma_wait3A_568] : memref<1040000x32xf32, #tpu.memory_space<hbm>> -> memref<1040000x32xf32, #tpu.memory_space<hbm>>
      tpu.wait_indirect_dma semaphore(%arg12 : memref<!tpu.dma_semaphore, #tpu.memory_space<semaphore_mem>>) src(%dma_wait3A_569 : memref<1040000x32xf32, #tpu.memory_space<hbm>>) dst(%dma_wait3A_563 : memref<128x32xf32, #tpu.memory_space<vmem>>)
      %dma_wait3A_570 = arith.constant 12 : i32
      %dma_wait3A_571 = arith.constant 1536 : i32
      %dma_wait3A_572 = arith.constant 0 : i32
      %dma_wait3A_573 = tpu.memref_slice %arg10[%dma_wait3A_571, %dma_wait3A_572] : memref<1792x16xf32, #tpu.memory_space<vmem>> -> memref<128x16xf32, #tpu.memory_space<vmem>>
      %dma_wait3A_574 = arith.constant 0 : i32
      %dma_wait3A_575 = tpu.memref_slice %arg8[%dma_wait3A_570, %dma_wait3A_574] : memref<14x128xi32, #tpu.memory_space<vmem>> -> memref<1x128xi32, #tpu.memory_space<vmem>>
      %dma_wait3A_576 = tpu.memref_squeeze %dma_wait3A_575 : memref<1x128xi32, #tpu.memory_space<vmem>> -> memref<128xi32, #tpu.memory_space<vmem>>
      %dma_wait3A_577 = arith.constant 0 : i32
      %dma_wait3A_578 = arith.constant 0 : i32
      %dma_wait3A_579 = tpu.memref_slice %arg4[%dma_wait3A_577, %dma_wait3A_578] : memref<65000x16xf32, #tpu.memory_space<hbm>> -> memref<65000x16xf32, #tpu.memory_space<hbm>>
      tpu.wait_indirect_dma semaphore(%arg12 : memref<!tpu.dma_semaphore, #tpu.memory_space<semaphore_mem>>) src(%dma_wait3A_579 : memref<65000x16xf32, #tpu.memory_space<hbm>>) dst(%dma_wait3A_573 : memref<128x16xf32, #tpu.memory_space<vmem>>)
      %dma_wait3A_580 = arith.constant 1664 : i32
      %dma_wait3A_581 = arith.constant 0 : i32
      %dma_wait3A_582 = tpu.memref_slice %arg9[%dma_wait3A_580, %dma_wait3A_581] : memref<1792x32xf32, #tpu.memory_space<vmem>> -> memref<128x32xf32, #tpu.memory_space<vmem>>
      %dma_wait3A_583 = arith.constant 0 : i32
      %dma_wait3A_584 = tpu.memref_slice %arg7[%add3A_314, %dma_wait3A_583] : memref<112x128xi32, #tpu.memory_space<vmem>> -> memref<1x128xi32, #tpu.memory_space<vmem>>
      %dma_wait3A_585 = tpu.memref_squeeze %dma_wait3A_584 : memref<1x128xi32, #tpu.memory_space<vmem>> -> memref<128xi32, #tpu.memory_space<vmem>>
      %dma_wait3A_586 = arith.constant 0 : i32
      %dma_wait3A_587 = arith.constant 0 : i32
      %dma_wait3A_588 = tpu.memref_slice %arg3[%dma_wait3A_586, %dma_wait3A_587] : memref<1040000x32xf32, #tpu.memory_space<hbm>> -> memref<1040000x32xf32, #tpu.memory_space<hbm>>
      tpu.wait_indirect_dma semaphore(%arg12 : memref<!tpu.dma_semaphore, #tpu.memory_space<semaphore_mem>>) src(%dma_wait3A_588 : memref<1040000x32xf32, #tpu.memory_space<hbm>>) dst(%dma_wait3A_582 : memref<128x32xf32, #tpu.memory_space<vmem>>)
      %dma_wait3A_589 = arith.constant 13 : i32
      %dma_wait3A_590 = arith.constant 1664 : i32
      %dma_wait3A_591 = arith.constant 0 : i32
      %dma_wait3A_592 = tpu.memref_slice %arg10[%dma_wait3A_590, %dma_wait3A_591] : memref<1792x16xf32, #tpu.memory_space<vmem>> -> memref<128x16xf32, #tpu.memory_space<vmem>>
      %dma_wait3A_593 = arith.constant 0 : i32
      %dma_wait3A_594 = tpu.memref_slice %arg8[%dma_wait3A_589, %dma_wait3A_593] : memref<14x128xi32, #tpu.memory_space<vmem>> -> memref<1x128xi32, #tpu.memory_space<vmem>>
      %dma_wait3A_595 = tpu.memref_squeeze %dma_wait3A_594 : memref<1x128xi32, #tpu.memory_space<vmem>> -> memref<128xi32, #tpu.memory_space<vmem>>
      %dma_wait3A_596 = arith.constant 0 : i32
      %dma_wait3A_597 = arith.constant 0 : i32
      %dma_wait3A_598 = tpu.memref_slice %arg4[%dma_wait3A_596, %dma_wait3A_597] : memref<65000x16xf32, #tpu.memory_space<hbm>> -> memref<65000x16xf32, #tpu.memory_space<hbm>>
      tpu.wait_indirect_dma semaphore(%arg12 : memref<!tpu.dma_semaphore, #tpu.memory_space<semaphore_mem>>) src(%dma_wait3A_598 : memref<65000x16xf32, #tpu.memory_space<hbm>>) dst(%dma_wait3A_592 : memref<128x16xf32, #tpu.memory_space<vmem>>)
      %iota3A = tpu.iota {dimensions = array<i32: 0>} : vector<16xi32>
      %scan3A_599 = arith.constant 0 : i32
      %scan3A_600 = arith.constant 4 : i32
      %scan3A_601 = arith.addi %scan3A_599, %scan3A_600 : i32
      %scan3A_602 = arith.constant 1 : i32
      scf.for %scan3A_612 = %scan3A_599 to %scan3A_601 step %scan3A_602  : i32 {
        %mul3A_613 = arith.constant 1792 : i32
        %mul3A_614 = arith.muli %scan3A_7, %mul3A_613 : i32
        %mul3A_615 = arith.constant 16 : i32
        %mul3A_616 = arith.muli %scan3A_612, %mul3A_615 : i32
        %add3A_617 = vector.broadcast %mul3A_616 : i32 to vector<16xi32>
        %add3A_618 = arith.addi %add3A_617, %iota3A : vector<16xi32>
        %mul3A_619 = arith.constant 28 : i32
        %mul3A_620 = vector.broadcast %mul3A_619 : i32 to vector<16xi32>
        %mul3A_621 = arith.muli %add3A_618, %mul3A_620 : vector<16xi32>
        %add3A_622 = vector.broadcast %mul3A_614 : i32 to vector<16xi32>
        %add3A_623 = arith.addi %add3A_622, %mul3A_621 : vector<16xi32>
        %broadcast_in_dim3A = arith.constant 0.000000e+00 : f32
        %broadcast_in_dim3A_624 = vector.broadcast %broadcast_in_dim3A : f32 to vector<16xf32>
        %scan3A_625 = arith.constant 0 : i32
        %scan3A_626 = arith.constant 26 : i32
        %scan3A_627 = arith.addi %scan3A_625, %scan3A_626 : i32
        %scan3A_628 = arith.constant 1 : i32
        %scan3A_629 = scf.for %scan3A_634 = %scan3A_625 to %scan3A_627 step %scan3A_628 iter_args(%scan3A_635 = %broadcast_in_dim3A_624) -> (vector<16xf32>)  : i32 {
          %add3A_636 = vector.broadcast %scan3A_634 : i32 to vector<16xi32>
          %add3A_637 = arith.addi %add3A_623, %add3A_636 : vector<16xi32>
          %shift_right_logical3A = arith.constant 7 : i32
          %shift_right_logical3A_638 = vector.broadcast %shift_right_logical3A : i32 to vector<16xi32>
          %shift_right_logical3A_639 = arith.shrui %add3A_637, %shift_right_logical3A_638 : vector<16xi32>
          %and3A = arith.constant 127 : i32
          %and3A_640 = vector.broadcast %and3A : i32 to vector<16xi32>
          %and3A_641 = arith.andi %add3A_637, %and3A_640 : vector<16xi32>
          %gather3A = tpu.vector_load_idx %arg7[%shift_right_logical3A_639, %and3A_641] : memref<112x128xi32, #tpu.memory_space<vmem>>[vector<16xi32>, vector<16xi32>], vector<16xi32>,
          %and3A_642 = arith.constant 15 : i32
          %and3A_643 = vector.broadcast %and3A_642 : i32 to vector<16xi32>
          %and3A_644 = arith.andi %gather3A, %and3A_643 : vector<16xi32>
          %mul3A_645 = arith.constant 1792 : i32
          %mul3A_646 = arith.muli %scan3A_7, %mul3A_645 : i32
          %sub3A = vector.broadcast %mul3A_646 : i32 to vector<16xi32>
          %sub3A_647 = arith.subi %add3A_637, %sub3A : vector<16xi32>
          %gather3A_648 = tpu.vector_load_idx %arg10[%sub3A_647, %and3A_644] : memref<1792x16xf32, #tpu.memory_space<vmem>>[vector<16xi32>, vector<16xi32>], vector<16xf32>,
          %add3A_649 = arith.addf %scan3A_635, %gather3A_648 : vector<16xf32>
          scf.yield %add3A_649 : vector<16xf32>
        }
        %scan3A_630 = arith.constant 26 : i32
        %mul3A_631 = arith.constant 16 : i32
        %mul3A_632 = arith.muli %scan3A_612, %mul3A_631 : i32
        %swap3A = arith.index_cast %mul3A_632 : i32 to index
        %swap3A_633 = tpu.vector_load %arg11[%swap3A] {strides = array<i32>} : memref<64xf32, #tpu.memory_space<vmem>>, vector<16xf32>,
        tpu.vector_store %arg11[%swap3A], %scan3A_629 {strides = array<i32>} : memref<64xf32, #tpu.memory_space<vmem>>, vector<16xf32>,
      }
      %scan3A_603 = arith.constant 4 : i32
      %mul3A_604 = arith.constant 1792 : i32
      %mul3A_605 = arith.muli %scan3A_7, %mul3A_604 : i32
      %add3A_606 = arith.addi %mul3A_2, %mul3A_605 : i32
      %mul3A_607 = arith.constant 512 : i32
      %mul3A_608 = arith.muli %add3A, %mul3A_607 : i32
      %mul3A_609 = arith.constant 64 : i32
      %mul3A_610 = arith.muli %scan3A_7, %mul3A_609 : i32
      %add3A_611 = arith.addi %mul3A_608, %mul3A_610 : i32
      "tpu.region"() ({
        %run_scoped3A = tpu.sem_alloc : memref<!tpu.dma_semaphore, #tpu.memory_space<semaphore_mem>>
        %dma_start3A_612 = arith.constant 0 : i32
        %dma_start3A_613 = tpu.memref_slice %arg5[%add3A_606, %dma_start3A_612] : memref<458752x32xf32, #tpu.memory_space<hbm>> -> memref<1792x32xf32, #tpu.memory_space<hbm>>
        %dma_start3A_614 = arith.constant 0 : i32
        %dma_start3A_615 = tpu.memref_slice %arg5[%add3A_606, %dma_start3A_614] : memref<458752x32xf32, #tpu.memory_space<hbm>> -> memref<1792x32xf32, #tpu.memory_space<hbm>>
        tpu.enqueue_dma source(%arg9 : memref<1792x32xf32, #tpu.memory_space<vmem>>) target(%dma_start3A_615 : memref<1792x32xf32, #tpu.memory_space<hbm>>) target_semaphore(%run_scoped3A : memref<!tpu.dma_semaphore, #tpu.memory_space<semaphore_mem>>)
        %dma_wait3A_616 = arith.constant 0 : i32
        %dma_wait3A_617 = tpu.memref_slice %arg5[%add3A_606, %dma_wait3A_616] : memref<458752x32xf32, #tpu.memory_space<hbm>> -> memref<1792x32xf32, #tpu.memory_space<hbm>>
        %dma_wait3A_618 = arith.constant 0 : i32
        %dma_wait3A_619 = tpu.memref_slice %arg5[%add3A_606, %dma_wait3A_618] : memref<458752x32xf32, #tpu.memory_space<hbm>> -> memref<1792x32xf32, #tpu.memory_space<hbm>>
        tpu.wait_dma2 semaphore(%run_scoped3A : memref<!tpu.dma_semaphore, #tpu.memory_space<semaphore_mem>>) src(%arg9 : memref<1792x32xf32, #tpu.memory_space<vmem>>) dst(%dma_wait3A_619 : memref<1792x32xf32, #tpu.memory_space<hbm>>)
        tpu.yield
      }) : () -> ()
      "tpu.region"() ({
        %run_scoped3A = tpu.sem_alloc : memref<!tpu.dma_semaphore, #tpu.memory_space<semaphore_mem>>
        %dma_start3A_612 = tpu.memref_slice %arg6[%add3A_611] : memref<16384xf32, #tpu.memory_space<hbm>> -> memref<64xf32, #tpu.memory_space<hbm>>
        %dma_start3A_613 = tpu.memref_slice %arg6[%add3A_611] : memref<16384xf32, #tpu.memory_space<hbm>> -> memref<64xf32, #tpu.memory_space<hbm>>
        tpu.enqueue_dma source(%arg11 : memref<64xf32, #tpu.memory_space<vmem>>) target(%dma_start3A_613 : memref<64xf32, #tpu.memory_space<hbm>>) target_semaphore(%run_scoped3A : memref<!tpu.dma_semaphore, #tpu.memory_space<semaphore_mem>>)
        %dma_wait3A_614 = tpu.memref_slice %arg6[%add3A_611] : memref<16384xf32, #tpu.memory_space<hbm>> -> memref<64xf32, #tpu.memory_space<hbm>>
        %dma_wait3A_615 = tpu.memref_slice %arg6[%add3A_611] : memref<16384xf32, #tpu.memory_space<hbm>> -> memref<64xf32, #tpu.memory_space<hbm>>
        tpu.wait_dma2 semaphore(%run_scoped3A : memref<!tpu.dma_semaphore, #tpu.memory_space<semaphore_mem>>) src(%arg11 : memref<64xf32, #tpu.memory_space<vmem>>) dst(%dma_wait3A_615 : memref<64xf32, #tpu.memory_space<hbm>>)
        tpu.yield
      }) : () -> ()
    }
    %scan3A_6 = arith.constant 8 : i32
    return
  }
}

module attributes {stable_mosaic.version = 14 : i64} {
  func.func @_mlp_body(%arg0: i32, %arg1: memref<4096x896xf32, #tpu.memory_space<vmem>>, %arg2: memref<4096xf32, #tpu.memory_space<vmem>>, %arg3: memref<896x32xf32, #tpu.memory_space<vmem>>, %arg4: memref<1x32xf32, #tpu.memory_space<vmem>>, %arg5: memref<1x32xf32, #tpu.memory_space<vmem>>, %arg6: memref<1x32xf32, #tpu.memory_space<vmem>>, %arg7: memref<32x32xf32, #tpu.memory_space<vmem>>, %arg8: memref<1x32xf32, #tpu.memory_space<vmem>>, %arg9: memref<1x32xf32, #tpu.memory_space<vmem>>, %arg10: memref<1x32xf32, #tpu.memory_space<vmem>>, %arg11: memref<32x1xf32, #tpu.memory_space<vmem>>, %arg12: memref<1x1xf32, #tpu.memory_space<vmem>>, %arg13: memref<4096xf32, #tpu.memory_space<vmem>>) attributes {dimension_semantics = [#tpu.dimension_semantics<arbitrary>], iteration_bounds = array<i64: 4>, scalar_prefetch = 0 : i64, scratch_operands = 0 : i64, tpu.core_type = #tpu.core_type<tc>, window_params = [{transform_indices = @transform_0, window_bounds = array<i64: 4096, 896>}, {transform_indices = @transform_1, window_bounds = array<i64: 4096>}, {pipeline_mode = #tpu.pipeline_mode<synchronous>, transform_indices = @transform_2, window_bounds = array<i64: 896, 32>}, {pipeline_mode = #tpu.pipeline_mode<synchronous>, transform_indices = @transform_3, window_bounds = array<i64: 1, 32>}, {pipeline_mode = #tpu.pipeline_mode<synchronous>, transform_indices = @transform_4, window_bounds = array<i64: 1, 32>}, {pipeline_mode = #tpu.pipeline_mode<synchronous>, transform_indices = @transform_5, window_bounds = array<i64: 1, 32>}, {pipeline_mode = #tpu.pipeline_mode<synchronous>, transform_indices = @transform_6, window_bounds = array<i64: 32, 32>}, {pipeline_mode = #tpu.pipeline_mode<synchronous>, transform_indices = @transform_7, window_bounds = array<i64: 1, 32>}, {pipeline_mode = #tpu.pipeline_mode<synchronous>, transform_indices = @transform_8, window_bounds = array<i64: 1, 32>}, {pipeline_mode = #tpu.pipeline_mode<synchronous>, transform_indices = @transform_9, window_bounds = array<i64: 1, 32>}, {pipeline_mode = #tpu.pipeline_mode<synchronous>, transform_indices = @transform_10, window_bounds = array<i64: 32, 1>}, {pipeline_mode = #tpu.pipeline_mode<synchronous>, transform_indices = @transform_11, window_bounds = array<i64: 1, 1>}, {transform_indices = @transform_12, window_bounds = array<i64: 4096>}]} {
    %get3A = arith.constant 0 : index
    %get3A_0 = arith.constant 0 : index
    %get3A_1 = vector.load %arg1[%get3A, %get3A_0] : memref<4096x896xf32, #tpu.memory_space<vmem>>, vector<4096x896xf32>
    %get3A_2 = arith.constant 0 : index
    %get3A_3 = arith.constant 0 : index
    %get3A_4 = vector.load %arg3[%get3A_2, %get3A_3] : memref<896x32xf32, #tpu.memory_space<vmem>>, vector<896x32xf32>
    %dot_general3A = arith.constant dense<0.000000e+00> : vector<4096x32xf32>
    %dot_general3A_5 = tpu.matmul %get3A_1, %get3A_4, %dot_general3A {dimension_numbers = #tpu.dot_dimension_numbers<[1], [0], [0], [1], [0, 0, 1, 1], [], []>, transpose_lhs_hint = false} : vector<4096x896xf32>, vector<896x32xf32>, vector<4096x32xf32> -> vector<4096x32xf32>
    %get3A_6 = arith.constant 0 : index
    %get3A_7 = arith.constant 0 : index
    %get3A_8 = vector.load %arg4[%get3A_6, %get3A_7] : memref<1x32xf32, #tpu.memory_space<vmem>>, vector<1x32xf32>
    %add3A = vector.broadcast %get3A_8 : vector<1x32xf32> to vector<4096x32xf32>
    %add3A_9 = arith.addf %dot_general3A_5, %add3A : vector<4096x32xf32>
    %mul3A = arith.constant 0.999994993 : f32
    %mul3A_10 = vector.broadcast %mul3A : f32 to vector<4096x32xf32>
    %mul3A_11 = arith.mulf %add3A_9, %mul3A_10 : vector<4096x32xf32>
    %get3A_12 = arith.constant 0 : index
    %get3A_13 = arith.constant 0 : index
    %get3A_14 = vector.load %arg5[%get3A_12, %get3A_13] : memref<1x32xf32, #tpu.memory_space<vmem>>, vector<1x32xf32>
    %mul3A_15 = vector.broadcast %get3A_14 : vector<1x32xf32> to vector<4096x32xf32>
    %mul3A_16 = arith.mulf %mul3A_11, %mul3A_15 : vector<4096x32xf32>
    %get3A_17 = arith.constant 0 : index
    %get3A_18 = arith.constant 0 : index
    %get3A_19 = vector.load %arg6[%get3A_17, %get3A_18] : memref<1x32xf32, #tpu.memory_space<vmem>>, vector<1x32xf32>
    %add3A_20 = vector.broadcast %get3A_19 : vector<1x32xf32> to vector<4096x32xf32>
    %add3A_21 = arith.addf %mul3A_16, %add3A_20 : vector<4096x32xf32>
    %max3A = arith.constant 0.000000e+00 : f32
    %max3A_22 = vector.broadcast %max3A : f32 to vector<4096x32xf32>
    %max3A_23 = arith.maximumf %add3A_21, %max3A_22 : vector<4096x32xf32>
    %get3A_24 = arith.constant 0 : index
    %get3A_25 = arith.constant 0 : index
    %get3A_26 = vector.load %arg7[%get3A_24, %get3A_25] : memref<32x32xf32, #tpu.memory_space<vmem>>, vector<32x32xf32>
    %dot_general3A_27 = arith.constant dense<0.000000e+00> : vector<4096x32xf32>
    %dot_general3A_28 = tpu.matmul %max3A_23, %get3A_26, %dot_general3A_27 {dimension_numbers = #tpu.dot_dimension_numbers<[1], [0], [0], [1], [0, 0, 1, 1], [], []>, transpose_lhs_hint = false} : vector<4096x32xf32>, vector<32x32xf32>, vector<4096x32xf32> -> vector<4096x32xf32>
    %get3A_29 = arith.constant 0 : index
    %get3A_30 = arith.constant 0 : index
    %get3A_31 = vector.load %arg8[%get3A_29, %get3A_30] : memref<1x32xf32, #tpu.memory_space<vmem>>, vector<1x32xf32>
    %add3A_32 = vector.broadcast %get3A_31 : vector<1x32xf32> to vector<4096x32xf32>
    %add3A_33 = arith.addf %dot_general3A_28, %add3A_32 : vector<4096x32xf32>
    %mul3A_34 = arith.constant 0.999994993 : f32
    %mul3A_35 = vector.broadcast %mul3A_34 : f32 to vector<4096x32xf32>
    %mul3A_36 = arith.mulf %add3A_33, %mul3A_35 : vector<4096x32xf32>
    %get3A_37 = arith.constant 0 : index
    %get3A_38 = arith.constant 0 : index
    %get3A_39 = vector.load %arg9[%get3A_37, %get3A_38] : memref<1x32xf32, #tpu.memory_space<vmem>>, vector<1x32xf32>
    %mul3A_40 = vector.broadcast %get3A_39 : vector<1x32xf32> to vector<4096x32xf32>
    %mul3A_41 = arith.mulf %mul3A_36, %mul3A_40 : vector<4096x32xf32>
    %get3A_42 = arith.constant 0 : index
    %get3A_43 = arith.constant 0 : index
    %get3A_44 = vector.load %arg10[%get3A_42, %get3A_43] : memref<1x32xf32, #tpu.memory_space<vmem>>, vector<1x32xf32>
    %add3A_45 = vector.broadcast %get3A_44 : vector<1x32xf32> to vector<4096x32xf32>
    %add3A_46 = arith.addf %mul3A_41, %add3A_45 : vector<4096x32xf32>
    %max3A_47 = arith.constant 0.000000e+00 : f32
    %max3A_48 = vector.broadcast %max3A_47 : f32 to vector<4096x32xf32>
    %max3A_49 = arith.maximumf %add3A_46, %max3A_48 : vector<4096x32xf32>
    %get3A_50 = arith.constant 0 : index
    %get3A_51 = arith.constant 0 : index
    %get3A_52 = vector.load %arg11[%get3A_50, %get3A_51] : memref<32x1xf32, #tpu.memory_space<vmem>>, vector<32x1xf32>
    %dot_general3A_53 = arith.constant dense<0.000000e+00> : vector<4096x1xf32>
    %dot_general3A_54 = tpu.matmul %max3A_49, %get3A_52, %dot_general3A_53 {dimension_numbers = #tpu.dot_dimension_numbers<[1], [0], [0], [1], [0, 0, 1, 1], [], []>, transpose_lhs_hint = false} : vector<4096x32xf32>, vector<32x1xf32>, vector<4096x1xf32> -> vector<4096x1xf32>
    %squeeze3A = vector.shape_cast %dot_general3A_54 : vector<4096x1xf32> to vector<4096xf32>
    %get3A_55 = arith.constant 0 : index
    %get3A_56 = vector.load %arg2[%get3A_55] : memref<4096xf32, #tpu.memory_space<vmem>>, vector<4096xf32>
    %add3A_57 = arith.addf %squeeze3A, %get3A_56 : vector<4096xf32>
    %get3A_58 = arith.constant 0 : index
    %get3A_59 = arith.constant 0 : index
    %get3A_60 = vector.load %arg12[%get3A_58, %get3A_59] : memref<1x1xf32, #tpu.memory_space<vmem>>, vector<1x1xf32>
    %get3A_61 = vector.extract %get3A_60[0, 0] : f32 from vector<1x1xf32>
    %add3A_62 = vector.broadcast %get3A_61 : f32 to vector<4096xf32>
    %add3A_63 = arith.addf %add3A_57, %add3A_62 : vector<4096xf32>
    %logistic3A = arith.negf %add3A_63 : vector<4096xf32>
    %logistic3A_64 = math.exp %logistic3A : vector<4096xf32>
    %logistic3A_65 = arith.constant 1.000000e+00 : f32
    %logistic3A_66 = vector.broadcast %logistic3A_65 : f32 to vector<4096xf32>
    %logistic3A_67 = arith.addf %logistic3A_66, %logistic3A_64 : vector<4096xf32>
    %logistic3A_68 = arith.divf %logistic3A_66, %logistic3A_67 : vector<4096xf32>
    %swap3A = arith.constant 0 : index
    %swap3A_69 = vector.load %arg13[%swap3A] : memref<4096xf32, #tpu.memory_space<vmem>>, vector<4096xf32>
    tpu.vector_store %arg13[%swap3A], %logistic3A_68 {strides = array<i32>} : memref<4096xf32, #tpu.memory_space<vmem>>, vector<4096xf32>,
    return
  }
  func.func @transform_0(%arg0: i32) -> (i32, i32) {
    %c0_i32 = arith.constant 0 : i32
    %c0_i32_0 = arith.constant 0 : i32
    return %arg0, %c0_i32 : i32, i32
  }
  func.func @transform_1(%arg0: i32) -> i32 {
    %c0_i32 = arith.constant 0 : i32
    return %arg0 : i32
  }
  func.func @transform_2(%arg0: i32) -> (i32, i32) {
    %c0_i32 = arith.constant 0 : i32
    %c0_i32_0 = arith.constant 0 : i32
    %c0_i32_1 = arith.constant 0 : i32
    return %c0_i32, %c0_i32_0 : i32, i32
  }
  func.func @transform_3(%arg0: i32) -> (i32, i32) {
    %c0_i32 = arith.constant 0 : i32
    %c0_i32_0 = arith.constant 0 : i32
    %c0_i32_1 = arith.constant 0 : i32
    return %c0_i32, %c0_i32_0 : i32, i32
  }
  func.func @transform_4(%arg0: i32) -> (i32, i32) {
    %c0_i32 = arith.constant 0 : i32
    %c0_i32_0 = arith.constant 0 : i32
    %c0_i32_1 = arith.constant 0 : i32
    return %c0_i32, %c0_i32_0 : i32, i32
  }
  func.func @transform_5(%arg0: i32) -> (i32, i32) {
    %c0_i32 = arith.constant 0 : i32
    %c0_i32_0 = arith.constant 0 : i32
    %c0_i32_1 = arith.constant 0 : i32
    return %c0_i32, %c0_i32_0 : i32, i32
  }
  func.func @transform_6(%arg0: i32) -> (i32, i32) {
    %c0_i32 = arith.constant 0 : i32
    %c0_i32_0 = arith.constant 0 : i32
    %c0_i32_1 = arith.constant 0 : i32
    return %c0_i32, %c0_i32_0 : i32, i32
  }
  func.func @transform_7(%arg0: i32) -> (i32, i32) {
    %c0_i32 = arith.constant 0 : i32
    %c0_i32_0 = arith.constant 0 : i32
    %c0_i32_1 = arith.constant 0 : i32
    return %c0_i32, %c0_i32_0 : i32, i32
  }
  func.func @transform_8(%arg0: i32) -> (i32, i32) {
    %c0_i32 = arith.constant 0 : i32
    %c0_i32_0 = arith.constant 0 : i32
    %c0_i32_1 = arith.constant 0 : i32
    return %c0_i32, %c0_i32_0 : i32, i32
  }
  func.func @transform_9(%arg0: i32) -> (i32, i32) {
    %c0_i32 = arith.constant 0 : i32
    %c0_i32_0 = arith.constant 0 : i32
    %c0_i32_1 = arith.constant 0 : i32
    return %c0_i32, %c0_i32_0 : i32, i32
  }
  func.func @transform_10(%arg0: i32) -> (i32, i32) {
    %c0_i32 = arith.constant 0 : i32
    %c0_i32_0 = arith.constant 0 : i32
    %c0_i32_1 = arith.constant 0 : i32
    return %c0_i32, %c0_i32_0 : i32, i32
  }
  func.func @transform_11(%arg0: i32) -> (i32, i32) {
    %c0_i32 = arith.constant 0 : i32
    %c0_i32_0 = arith.constant 0 : i32
    %c0_i32_1 = arith.constant 0 : i32
    return %c0_i32, %c0_i32_0 : i32, i32
  }
  func.func @transform_12(%arg0: i32) -> i32 {
    %c0_i32 = arith.constant 0 : i32
    return %arg0 : i32
  }
}

</mosaic_0001>

<sc_bundles>
// kernel: kernel.4.cloned.1.call-start
scs
__scs_entry_jumppad:
0x0: {  	(pc) =	sbr.rel $0x88, $3  }
0x1: {  	(tag) =	ssettag $0x0;
	lr =	simm.s32 $0x1  }
0x2: {  	[smem:$0x3F93] =	sst lr;
	_ =	strace $0xD0000000  }
0x3: {  	_ = 	snop  }
0x4: {  	_ = 	snop  }
0x5: {  	_ = 	snop  }
0x6: {  	_ = 	snop  }
0x7: {  	_ = 	snop  }
__scs_overlays_trampoline_lowered:
0x8: {  	[smem:$0x3FA2] =	sst s0  }
0x9: {  	[smem:$0x3FA3] =	sst s1  }
0xa: {  	[smem:$0x3FA4] =	sst s2  }
0xb: {  	[smem:$0x3FA5] =	sst s3  }
0xc: {  	[smem:$0x3FA6] =	sst s4  }
0xd: {  	[smem:$0x3FA7] =	sst s5  }
0xe: {  	[smem:$0x3FA8] =	sst s6  }
0xf: {  	[smem:$0x3FA9] =	sst s7  }
0x10: {  	[smem:$0x3FAA] =	sst s8  }
0x11: {  	[smem:$0x3FAB] =	sst s9;
	s0 =	simm.s32 @!p0 $0x0  }
0x12: {  	s1 =	sld [smem:$0x3F91];
	s0 =	simm.s32 @p0 $0x1  }
0x13: {  	[smem:$0x3FAC] =	sst s0;
	s0 =	simm.s32 @!p1 $0x0  }
0x14: {  	s2 =	sld [smem:$0x3F90];
	s0 =	simm.s32 @p1 $0x1  }
0x15: {  	[smem:$0x3FAD] =	sst s0;
	s0 =	simm.s32 @!p2 $0x0  }
0x16: {  	s3 =	sld [smem:$0x3FDB];
	s0 =	simm.s32 @p2 $0x1  }
0x17: {  	s4 =	simm.s32 $0x1BF5;
	[smem:$0x3FAF] =	sst s0  }
0x18: {  	s0 =	sld [smem:$0x3F92];
	_ =	swait.ge [sflag:s4], $0x0  }
0x19: {  	s7 =	sld [smem:$0x3F93]  }
0x1a: {  	s8 =	sadd.s32 $0xFFFFE003, lr  }
0x1b: {  	s9 =	sadd.s32 $0xFFFFFEF7, lr;
	s5 =	simm.s32 $0xFFFFFFFF;
	p2 =	slt.u32 s8, $0xFFFFF086  }
0x1c: {  	p1 =	slt.u32 s9, $0xF7A;
	s5 =	simm.s32 @!p2 $0x0  }
0x1d: {  	s5 =	simm.s32 @p1 $0x1;
	p0 =	seq.s32 s7, s2  }
0x1e: {  	s7 =	smul.u32 @!p0 $0xF7A, s2;
	p2 =	seq.s32 @!p0 s5, $0x0  }
0x1f: {  	s9 =	smul.u32 $0xF7A, s1;
	s8 =	simm.s32 @!p0 $0x1BF5;
	p2 =	por !p2, p0  }
0x20: {  	[sflag:s8] =	ssyncset.s32 @!p0 $0xFFFFF086;
	s6 =	sadd.s32 @!p0 s3, s7;
	s7 =	simm.s32 @!p0 $0x108  }
0x21: {  	s3 =	sadd.s32 s3, s9;
	s6 =	sadd.s32 @!p0 $0x88, s6;
	s7 =	simm.s32 @p2 $0x1082  }
0x22: {  	[simem:s7], [sflag:s8] =	dma.local @!p0 [hbm:s6], $0xF7A  }
0x23: {  	s9 =	sor.u32 $0xD0000000, s2;
	s6 =	simm.s32 $0x108;
	_ =	swait.ge @!p0 [sflag:s8], $0x0  }
0x24: {  	s3 =	sadd.s32 $0x88, s3;
	s6 =	simm.s32 @!p1 $0x1082;
	[sflag:s4] =	ssyncset.s32 $0xFFFFF086  }
0x25: {  	[simem:s6], [sflag:s4] =	dma.local [hbm:s3], $0xF7A  }
0x26: {  	[smem:$0x3F93] =	sst s1;
	(tag) =	ssettag s2;
	_ =	strace s9  }
0x27: {  	s1 =	sld [smem:$0x3FA3]  }
0x28: {  	s2 =	sld [smem:$0x3FA4]  }
0x29: {  	s4 =	sld [smem:$0x3FA6]  }
0x2a: {  	p0 =	seq.s32 s5, $0x0;
	s5 =	sld [smem:$0x3FA7]  }
0x2b: {  	s6 =	sld [smem:$0x3FA8]  }
0x2c: {  	s7 =	sld [smem:$0x3FA9]  }
0x2d: {  	s3 =	simm.s32 $0x108;
	s8 =	sld [smem:$0x3FAA]  }
0x2e: {  	s3 =	simm.s32 @!p0 $0x1082;
	s9 =	sld [smem:$0x3FAB]  }
0x2f: {  	lr =	sadd.s32 s0, s3;
	s0 =	sld [smem:$0x3FA2]  }
0x30: {  	s3 =	sld [smem:$0x3FA5]  }
0x31: {  	[smem:$0x3FAE] =	sst s10  }
0x32: {  	s10 =	sld [smem:$0x3FAC];
	_ =	sdelay $0x3  }
0x33: {  	p0 =	seq.s32 s10, $0x1;
	s10 =	sld [smem:$0x3FAE];
	_ =	sdelay $0x3  }
0x34: {  	[smem:$0x3FAE] =	sst s10  }
0x35: {  	s10 =	sld [smem:$0x3FAD];
	_ =	sdelay $0x3  }
0x36: {  	p1 =	seq.s32 s10, $0x1;
	s10 =	sld [smem:$0x3FAE];
	_ =	sdelay $0x3  }
0x37: {  	[smem:$0x3FAE] =	sst s10  }
0x38: {  	s10 =	sld [smem:$0x3FAF]  }
0x39: {  	_ = 	snop;
	(pc) =	sbr.ind lr, $3  }
0x3a: {  	_ = 	snop  }
0x3b: {  	_ = 	snop  }
0x3c: {  	p2 =	seq.s32 s10, $0x1;
	s10 =	sld [smem:$0x3FAE]  }
0x3d: {  	_ =	shalt  }
0x3e: {  	_ =	shalt  }
0x3f: {  	_ =	shalt  }
0x40: {  	_ =	shalt  }
0x41: {  	_ =	shalt  }
0x42: {  	_ =	shalt  }
0x43: {  	_ =	shalt  }
0x44: {  	_ =	shalt  }
0x45: {  	_ =	shalt  }
0x46: {  	_ =	shalt  }
0x47: {  	_ =	shalt  }
0x48: {  	_ =	shalt  }
0x49: {  	_ =	shalt  }
0x4a: {  	_ =	shalt  }
0x4b: {  	_ =	shalt  }
0x4c: {  	_ =	shalt  }
0x4d: {  	_ =	shalt  }
0x4e: {  	_ =	shalt  }
0x4f: {  	_ =	shalt  }
0x50: {  	_ =	shalt  }
0x51: {  	_ =	shalt  }
0x52: {  	_ =	shalt  }
0x53: {  	_ =	shalt  }
0x54: {  	_ =	shalt  }
0x55: {  	_ =	shalt  }
0x56: {  	_ =	shalt  }
0x57: {  	_ =	shalt  }
0x58: {  	_ =	shalt  }
0x59: {  	_ =	shalt  }
0x5a: {  	_ =	shalt  }
0x5b: {  	_ =	shalt  }
0x5c: {  	_ =	shalt  }
0x5d: {  	_ =	shalt  }
0x5e: {  	_ =	shalt  }
0x5f: {  	_ =	shalt  }
0x60: {  	_ =	shalt  }
0x61: {  	_ =	shalt  }
0x62: {  	_ =	shalt  }
0x63: {  	_ =	shalt  }
0x64: {  	_ =	shalt  }
0x65: {  	_ =	shalt  }
0x66: {  	_ =	shalt  }
0x67: {  	_ =	shalt  }
0x68: {  	_ =	shalt  }
0x69: {  	_ =	shalt  }
0x6a: {  	_ =	shalt  }
0x6b: {  	_ =	shalt  }
0x6c: {  	_ =	shalt  }
0x6d: {  	_ =	shalt  }
0x6e: {  	_ =	shalt  }
0x6f: {  	_ =	shalt  }
0x70: {  	_ =	shalt  }
0x71: {  	_ =	shalt  }
0x72: {  	_ =	shalt  }
0x73: {  	_ =	shalt  }
0x74: {  	_ =	shalt  }
0x75: {  	_ =	shalt  }
0x76: {  	_ =	shalt  }
0x77: {  	_ =	shalt  }
0x78: {  	_ =	shalt  }
0x79: {  	_ =	shalt  }
0x7a: {  	_ =	shalt  }
0x7b: {  	_ =	shalt  }
0x7c: {  	_ =	shalt  }
0x7d: {  	_ =	shalt  }
0x7e: {  	_ =	shalt  }
0x7f: {  	_ =	shalt  }
0x80: {  	_ =	shalt  }
0x81: {  	_ =	shalt  }
0x82: {  	_ =	shalt  }
0x83: {  	_ =	shalt  }
0x84: {  	_ =	shalt  }
0x85: {  	_ =	shalt  }
0x86: {  	_ =	shalt  }
0x87: {  	_ =	shalt  }
.Lfunc_end0:
.L_simem_size_0:
called_computation_lowered:
.L_overlay_start_0:
0x88: {  	s2 =	sld [smem:$0x3FD9]  }
0x89: {  	s3 =	sld [smem:$0x3FFE];
	_ =	sdelay $0x1  }
0x8a: {  	s1 =	srdreg.scid  }
0x8b: {  	s0 =	sand.u32 $0x1, s1  }
0x8c: {  	s17 =	sshll.u32 s0, $0xA;
	s2 =	sadd.s32 s3, s2  }
0x8d: {  	s2 =	sadd.s32 s2, s17  }
0x8e: {  	[smem:$0x3FBA] =	sst s2  }
0x8f: {  	_ = 	snop  }
0x90: {  	s2 =	sld [smem:$0x3FD0];
	(tm) =	ssettm $0x1  }
0x91: {  	s18 =	sld [smem:$0x3FFB];
	_ =	sdelay $0x3  }
0x92: {  	_ =	strace s18  }
0x93: {  	s3 =	sld [smem:$0x3FFC];
	_ =	sdelay $0x3  }
0x94: {  	_ =	strace s3  }
0x95: {  	s3 =	sld [smem:$0x3FFD];
	_ =	sdelay $0x3  }
0x96: {  	_ =	strace s3  }
0x97: {  	_ =	strace $0x8FFFFFFF  }
0x98: {  	s19 =	sld [smem:$0x3FDB];
	_ =	sdelay $0x1  }
0x99: {  	s4 =	simm.s32 $_scs_section_size  }
0x9a: {  	s5 =	simm.s32 $_size__tile_overlayer_lowered;
	s6 =	simm.s32 $_tile_overlayer_lowered  }
0x9b: {  	s22 =	simm.s32 $0x1BFF;
	s21 =	sshll.u32 s6, $0x1;
	s3 =	sadd.s32 s4, s19  }
0x9c: {  	s7 =	simm.s32 $0x0;
	s20 =	sshll.u32 s5, $0x1;
	s5 =	sadd.s32 s21, s3  }
0x9d: {  	[timem:s7], [sflag:s22] =	dma.local [hbm:s5], s20  }
0x9e: {  	_ =	swait.ge [sflag:s22], s20  }
0x9f: {  	s4 =	ssub.s32 $0x0, s20;
	[sflag:s22] =	ssyncset.done $0x0  }
0xa0: {  	[sflag:s22] =	ssyncadd.s32 s4;
	_ =	sdelay $0x1  }
0xa1: {  	s23 =	simm.s32 $0x1B8B  }
0xa2: {  	_ =	swait.ge [sflag:s23], $0x1  }
0xa3: {  	[sflag:s23] =	ssyncset.done $0x0  }
0xa4: {  	s25 =	simm.s32 $0x1B8E;
	s24 =	sld [smem:$0x3FFE];
	[sflag:s23] =	ssyncadd.s32 $0xFFFFFFFF  }
0xa5: {  	s26 =	simm.s32 $execute0_lowered;
	[smem:$0x3FD2] =	sst s25  }
0xa6: {  	s5 =	sshll.u32 s26, $0x1;
	_ =	strace $0x80000046;
	[dreg:$0x1] =	wrdreg $0xFFFFFFFF  }
0xa7: {  	s28 =	simm.s32 $_size_execute0_lowered;
	s3 =	sadd.s32 s3, s5;
	[dreg:$0x0] =	wrdreg $0x0  }
0xa8: {  	s5 =	sshll.u32 s28, $0x1;
	[dreg:$0x2] =	wrdreg s3  }
0xa9: {  	[dreg:$0x3] =	wrdreg s5  }
0xaa: {  	[dreg:$0x4] =	wrdreg $0xC0  }
0xab: {  	_ =	task [dreg:s7], $0x5FFFF  }
0xac: {  	[dreg:$0x1] =	wrdreg $0xFFFFFFFF  }
0xad: {  	[dreg:$0x0] =	wrdreg $0x60  }
0xae: {  	[dreg:$0x2] =	wrdreg s24  }
0xaf: {  	[dreg:$0x3] =	wrdreg s2  }
0xb0: {  	[dreg:$0x4] =	wrdreg $0x9  }
0xb1: {  	_ =	task.clear_ibuf [dreg:s7], $0x5FFFF;
	_ =	strace $0x90000046  }
0xb2: {  	s29 =	simm.s32 $0x9;
	_ =	strace $0x80000048  }
0xb3: {  	_ =	swait.ge [sflag:s29], $0x1  }
0xb4: {  	[sflag:s29] =	ssyncadd.s32 $0xFFFFFFFF  }
0xb5: {  	_ =	strace $0x90000048  }
0xb6: {  	_ =	sfence  }
0xb7: {  	s30 =	sld [smem:$0x0];
	_ =	sdelay $0x2  }
0xb8: {  	s31 =	sshll.u32 s1, $0xD;
	s1 =	sshrl.u32 s1, $0x2  }
0xb9: {  	s3 =	sand.u32 $0x4000, s31;
	s1 =	sadd.s32 s1, s30  }
0xba: {  	s0 =	sor.u32 s3, s0;
	s1 =	sshll.u32 s1, $0x11  }
0xbb: {  	s0 =	sor.u32 s1, s0  }
0xbc: {  	s0 =	sadd.s32 $0x8F2B, s0  }
0xbd: {  	[sflag:s0] =	ssyncadd.remote.s32 $0x1  }
0xbe: {  	_ =	sfence.sel $0xFFFF  }
0xbf: {  	[dreg:$0x0] =	wrdreg $0xFFFFFFFF;
	(pc) =	sbr.abs _section_cstart, $3  }
0xc0: {  	[dreg:$0x1] =	wrdreg $0xFFFFFFFF  }
0xc1: {  	_ =	task.clear_ibuf [dreg:s7], $0x2FFFF;
	_ =	strace $0x9FFFFFFF  }
0xc2: {  	(tm) =	ssettm $0x7FFFFFFF  }
0xc3: {  	_ =	shalt  }
tec
execute0_lowered:
.L_overlay_start_1:
0x0: {  	(tag) =	ssettag $0x1  }
0x1: {  	s0 =	srdreg.scid;
	s6 =	rddreg [dreg:$0x0]  }
0x2: {  	s1 =	stileid.u32;
	s7 =	rddreg [dreg:$0x1]  }
0x3: {  	s3 =	simm.s32 $0x0;
	s10 =	simm.s32 $0x2;
	s11 =	simm.s32 $0x80  }
0x4: {  	s12 =	simm.s32 $0x3F00;
	s14 =	simm.s32 $0x11F00;
	s22 =	simm.s32 $0x3D00  }
0x5: {  	s23 =	simm.s32 $0x16F00;
	s24 =	simm.s32 $0xEF00;
	s25 =	simm.s32 $0x3D80  }
0x6: {  	s26 =	simm.s32 $0x17700;
	s28 =	simm.s32 $0xFF00;
	s29 =	simm.s32 $0x3E00  }
0x7: {  	s30 =	simm.s32 $0x17F00;
	s0 =	sand.u32 $0x1, s0;
	s1 =	sshll.u32 s1, $0x1  }
0x8: {  	s31 =	simm.s32 $0x10F00;
	s15 =	simm.s32 $0x0;
	s1 =	sor.u32 s0, s1  }
0x9: {  	[smem:$0x7FF] =	sst s3;
	s0 =	ssub.s32 $0x2, s0;
	s2 =	smul.u32 $0x3800, s1  }
0xa: {  	s5 =	sadd.s32 $0xF800, s6;
	_ =	strace $0x80000047;
	s9 =	sshrl.u32 s0, $0x1  }
0xb: {  	s1 =	sshll.u32 s1, $0x6;
	s0 =	ssub.s32 s0, s9;
	s4 =	sshrl.u32 s2, $0x3  }
0xc: {  	s9 =	simm.s32 $0x18F00;
	s0 =	smax.u32 s0, $0x1;
	s8 =	sadd.s32 s4, s6  }
0xd: {  	s4 =	sadd.s32 $0xFEE000, s6;
	[dreg:$0x4] =	wrdreg s0;
	s8 =	sadd.s32 $0x1800, s8  }
0xe: {  	v0 =	vlaneseq.u32;
	s6 =	sadd.s32 $0x2F400, s6;
	s0 =	simm.s32 $0x18700;
	[dreg:$0x3] =	wrdreg s8  }
0xf: {  	v0 =	vmul.u32 $0x1C, v0;
	s8 =	sadd.s32 s7, s1;
	s1 =	simm.s32 $0x3E80;
	s7 =	simm.s32 $0x1  }
.LBB2_1:
0x10: {  	[dreg:$0x5] =	wrdreg s15  }
0x11: {  	s13 =	rddreg [dreg:$0x3]  }
0x12: {  	[tilespmem:s3], [sflag:$0x2] =	stream.linear.gather [hbm4b:s13+s3], $0x3800, $0x38;
	[tilespmem:$0x18F40] =	vst v63  }
0x13: {  	_ =	swait.ge [sflag:s10], $0x3800  }
0x14: {  	[sflag:s10] =	ssyncset.done $0x0  }
0x15: {  	s13 =	simm.s32 $0x0;
	[sflag:s10] =	ssyncadd.s32 $0xFFFFC800  }
.LBB2_2:
0x16: {  	s16 =	smul.u32 $0xE, s13;
	_ =	sdelay $0x1  }
0x17: {  	s15 =	sadd.s32 $0x0, s16  }
0x18: {  	s20 =	simm.s32 $0x0;
	s15 =	sshll.u32 s15, $0x7  }
0x19: {  	s17 =	sand.u32 $0x70, s20;
	s18 =	sand.u32 $0x3FFFFF80, s15  }
0x1a: {  	s18 =	sor.u32 s17, s18  }
0x1b: {  	s21 =	simm.s32 $0x0;
	v1 =	vld [tilespmem:s18+$0x0]  }
0x1c: {  	s19 =	simm.s32 $0x2;
	s15 =	simm.s32 $0x1;
	s18 =	simm.s32 $0x0  }
.LBB2_3:
0x1d: {  	s21 =	sadd.s32 s16, s21  }
0x1e: {  	p0 =	sne.s32 s19, $0x6F;
	s20 =	sshll.u32 s20, $0x4;
	s21 =	sshll.u32 s21, $0x7  }
0x1f: {  	s18 =	sadd.s32 $0x10, s18;
	s20 =	sand.u32 $0x3FFFFF80, s20;
	s21 =	sand.u32 $0x3FFFFF80, s21  }
.Ltmp0:
0x20: {  	v1 =	vshrl.u32 v1, $0x4;
	s20 =	sor.u32 s17, s20;
	s17 =	sand.u32 $0x70, s18;
	(pc) =	sbr.rel @p0 .LBB2_3-.Ltmp0, $3  }
0x21: {  	s21 =	sor.u32 s17, s21;
	[tilespmem:s20+$0x3800] =	vst v1;
	s20 =	smov.u32 s15;
	s15 =	smov.u32 s19  }
0x22: {  	v1 =	vld [tilespmem:s21+$0x0];
	_ =	sdelay $0x1  }
0x23: {  	s19 =	sadd.s32 $0x1, s19;
	s21 =	sshrl.u32 s15, $0x3  }
0x24: {  	s16 =	sadd.s32 s16, s21;
	s19 =	sshll.u32 s20, $0x4  }
0x25: {  	s18 =	sadd.s32 $0x10, s18;
	s16 =	sshll.u32 s16, $0x7;
	s19 =	sand.u32 $0x3FFFFF80, s19  }
0x26: {  	s18 =	sand.u32 $0x70, s18;
	s17 =	sor.u32 s17, s19;
	s16 =	sand.u32 $0x3FFFFF80, s16;
	v1 =	vshrl.u32 v1, $0x4  }
0x27: {  	[tilespmem:s17+$0x3800] =	vst v1;
	s16 =	sor.u32 s18, s16  }
0x28: {  	v1 =	vld [tilespmem:s16+$0x0];
	_ =	sdelay $0x2  }
0x29: {  	s15 =	sshll.u32 s15, $0x4  }
0x2a: {  	s21 =	smul.u32 $0x1C00, s13;
	s15 =	sand.u32 $0x3FFFFF80, s15  }
0x2b: {  	s15 =	sor.u32 s18, s15;
	v1 =	vshrl.u32 v1, $0x4  }
0x2c: {  	[tilespmem:s15+$0x3800] =	vst v1;
	s15 =	sshra.s32 s21, $0x2  }
0x2d: {  	[tilespmem:s12], [sflag:$0x1] =	stream.indirect.gather [hbm4b:s4+s11], $0x20, s15, s11, $0xb8;
	[tilespmem:$0x18F40] =	vst v63  }
0x2e: {  	s17 =	simm.s32 $0x3800  }
0x2f: {  	[tilespmem:s14], [sflag:$0x1] =	stream.indirect.gather [hbm4b:s5+s11], $0x10, s17, s11, $0xb8;
	[tilespmem:$0x18F40] =	vst v63  }
0x30: {  	s19 =	simm.s32 $0x4F00;
	s18 =	sor.u32 $0x80, s15  }
0x31: {  	[tilespmem:s19], [sflag:$0x1] =	stream.indirect.gather [hbm4b:s4+s11], $0x20, s18, s11, $0xb8;
	[tilespmem:$0x18F40] =	vst v63  }
0x32: {  	s20 =	simm.s32 $0x3880;
	s21 =	simm.s32 $0x12700  }
0x33: {  	[tilespmem:s21], [sflag:$0x1] =	stream.indirect.gather [hbm4b:s5+s11], $0x10, s20, s11, $0xb8;
	[tilespmem:$0x18F40] =	vst v63  }
0x34: {  	s18 =	sadd.s32 $0x100, s15;
	s19 =	simm.s32 $0x5F00  }
0x35: {  	[tilespmem:s19], [sflag:$0x1] =	stream.indirect.gather [hbm4b:s4+s11], $0x20, s18, s11, $0xb8;
	[tilespmem:$0x18F40] =	vst v63  }
0x36: {  	s20 =	simm.s32 $0x3900;
	s21 =	simm.s32 $0x12F00  }
0x37: {  	[tilespmem:s21], [sflag:$0x1] =	stream.indirect.gather [hbm4b:s5+s11], $0x10, s20, s11, $0xb8;
	[tilespmem:$0x18F40] =	vst v63  }
0x38: {  	s18 =	sadd.s32 $0x180, s15;
	s19 =	simm.s32 $0x6F00  }
0x39: {  	[tilespmem:s19], [sflag:$0x1] =	stream.indirect.gather [hbm4b:s4+s11], $0x20, s18, s11, $0xb8;
	[tilespmem:$0x18F40] =	vst v63  }
0x3a: {  	s20 =	simm.s32 $0x3980;
	s21 =	simm.s32 $0x13700  }
0x3b: {  	[tilespmem:s21], [sflag:$0x1] =	stream.indirect.gather [hbm4b:s5+s11], $0x10, s20, s11, $0xb8;
	[tilespmem:$0x18F40] =	vst v63  }
0x3c: {  	s18 =	sadd.s32 $0x200, s15;
	s19 =	simm.s32 $0x7F00  }
0x3d: {  	[tilespmem:s19], [sflag:$0x1] =	stream.indirect.gather [hbm4b:s4+s11], $0x20, s18, s11, $0xb8;
	[tilespmem:$0x18F40] =	vst v63  }
0x3e: {  	s20 =	simm.s32 $0x3A00;
	s21 =	simm.s32 $0x13F00  }
0x3f: {  	[tilespmem:s21], [sflag:$0x1] =	stream.indirect.gather [hbm4b:s5+s11], $0x10, s20, s11, $0xb8;
	[tilespmem:$0x18F40] =	vst v63  }
0x40: {  	s18 =	sadd.s32 $0x280, s15;
	s19 =	simm.s32 $0x8F00  }
0x41: {  	[tilespmem:s19], [sflag:$0x1] =	stream.indirect.gather [hbm4b:s4+s11], $0x20, s18, s11, $0xb8;
	[tilespmem:$0x18F40] =	vst v63  }
0x42: {  	s20 =	simm.s32 $0x3A80;
	s21 =	simm.s32 $0x14700  }
0x43: {  	[tilespmem:s21], [sflag:$0x1] =	stream.indirect.gather [hbm4b:s5+s11], $0x10, s20, s11, $0xb8;
	[tilespmem:$0x18F40] =	vst v63  }
0x44: {  	s18 =	sadd.s32 $0x300, s15;
	s19 =	simm.s32 $0x9F00  }
0x45: {  	[tilespmem:s19], [sflag:$0x1] =	stream.indirect.gather [hbm4b:s4+s11], $0x20, s18, s11, $0xb8;
	[tilespmem:$0x18F40] =	vst v63  }
0x46: {  	s20 =	simm.s32 $0x3B00;
	s21 =	simm.s32 $0x14F00  }
0x47: {  	[tilespmem:s21], [sflag:$0x1] =	stream.indirect.gather [hbm4b:s5+s11], $0x10, s20, s11, $0xb8;
	[tilespmem:$0x18F40] =	vst v63  }
0x48: {  	s18 =	sadd.s32 $0x380, s15;
	s19 =	simm.s32 $0xAF00  }
0x49: {  	[tilespmem:s19], [sflag:$0x1] =	stream.indirect.gather [hbm4b:s4+s11], $0x20, s18, s11, $0xb8;
	[tilespmem:$0x18F40] =	vst v63  }
0x4a: {  	s20 =	simm.s32 $0x3B80;
	s21 =	simm.s32 $0x15700  }
0x4b: {  	[tilespmem:s21], [sflag:$0x1] =	stream.indirect.gather [hbm4b:s5+s11], $0x10, s20, s11, $0xb8;
	[tilespmem:$0x18F40] =	vst v63  }
0x4c: {  	s18 =	sadd.s32 $0x400, s15;
	s19 =	simm.s32 $0xBF00  }
0x4d: {  	[tilespmem:s19], [sflag:$0x1] =	stream.indirect.gather [hbm4b:s4+s11], $0x20, s18, s11, $0xb8;
	[tilespmem:$0x18F40] =	vst v63  }
0x4e: {  	s20 =	simm.s32 $0x3C00;
	s21 =	simm.s32 $0x15F00  }
0x4f: {  	[tilespmem:s21], [sflag:$0x1] =	stream.indirect.gather [hbm4b:s5+s11], $0x10, s20, s11, $0xb8;
	[tilespmem:$0x18F40] =	vst v63  }
0x50: {  	s18 =	sadd.s32 $0x480, s15;
	s19 =	simm.s32 $0xCF00  }
0x51: {  	[tilespmem:s19], [sflag:$0x1] =	stream.indirect.gather [hbm4b:s4+s11], $0x20, s18, s11, $0xb8;
	[tilespmem:$0x18F40] =	vst v63  }
0x52: {  	s20 =	simm.s32 $0x3C80;
	s21 =	simm.s32 $0x16700  }
0x53: {  	[tilespmem:s21], [sflag:$0x1] =	stream.indirect.gather [hbm4b:s5+s11], $0x10, s20, s11, $0xb8;
	[tilespmem:$0x18F40] =	vst v63  }
0x54: {  	s18 =	sadd.s32 $0x500, s15;
	s19 =	simm.s32 $0xDF00  }
0x55: {  	[tilespmem:s19], [sflag:$0x1] =	stream.indirect.gather [hbm4b:s4+s11], $0x20, s18, s11, $0xb8;
	[tilespmem:$0x18F40] =	vst v63  }
0x56: {  	_ = 	snop  }
0x57: {  	[tilespmem:s23], [sflag:$0x1] =	stream.indirect.gather [hbm4b:s5+s11], $0x10, s22, s11, $0xb8;
	[tilespmem:$0x18F40] =	vst v63  }
0x58: {  	s20 =	sadd.s32 $0x580, s15  }
0x59: {  	[tilespmem:s24], [sflag:$0x1] =	stream.indirect.gather [hbm4b:s4+s11], $0x20, s20, s11, $0xb8;
	[tilespmem:$0x18F40] =	vst v63  }
0x5a: {  	_ = 	snop  }
0x5b: {  	[tilespmem:s26], [sflag:$0x1] =	stream.indirect.gather [hbm4b:s5+s11], $0x10, s25, s11, $0xb8;
	[tilespmem:$0x18F40] =	vst v63  }
0x5c: {  	s21 =	sadd.s32 $0x600, s15  }
0x5d: {  	[tilespmem:s28], [sflag:$0x1] =	stream.indirect.gather [hbm4b:s4+s11], $0x20, s21, s11, $0xb8;
	[tilespmem:$0x18F40] =	vst v63  }
0x5e: {  	_ = 	snop  }
0x5f: {  	[tilespmem:s30], [sflag:$0x1] =	stream.indirect.gather [hbm4b:s5+s11], $0x10, s29, s11, $0xb8;
	[tilespmem:$0x18F40] =	vst v63  }
0x60: {  	s15 =	sadd.s32 $0x680, s15  }
0x61: {  	[tilespmem:s31], [sflag:$0x1] =	stream.indirect.gather [hbm4b:s4+s11], $0x20, s15, s11, $0xb8;
	[tilespmem:$0x18F40] =	vst v63  }
0x62: {  	_ = 	snop  }
0x63: {  	[tilespmem:s0], [sflag:$0x1] =	stream.indirect.gather [hbm4b:s5+s11], $0x10, s1, s11, $0xb8;
	[tilespmem:$0x18F40] =	vst v63  }
0x64: {  	_ =	swait.ge [sflag:s7], $0x1000  }
0x65: {  	[sflag:s7] =	ssyncset.done $0x0  }
0x66: {  	[sflag:s7] =	ssyncadd.s32 $0xFFFFF000  }
0x67: {  	_ =	swait.ge [sflag:s7], $0x800  }
0x68: {  	[sflag:s7] =	ssyncset.done $0x0  }
0x69: {  	[sflag:s7] =	ssyncadd.s32 $0xFFFFF800  }
0x6a: {  	_ =	swait.ge [sflag:s7], $0x1000  }
0x6b: {  	[sflag:s7] =	ssyncset.done $0x0  }
0x6c: {  	[sflag:s7] =	ssyncadd.s32 $0xFFFFF000  }
0x6d: {  	_ =	swait.ge [sflag:s7], $0x800  }
0x6e: {  	[sflag:s7] =	ssyncset.done $0x0  }
0x6f: {  	[sflag:s7] =	ssyncadd.s32 $0xFFFFF800  }
0x70: {  	_ =	swait.ge [sflag:s7], $0x1000  }
0x71: {  	[sflag:s7] =	ssyncset.done $0x0  }
0x72: {  	[sflag:s7] =	ssyncadd.s32 $0xFFFFF000  }
0x73: {  	_ =	swait.ge [sflag:s7], $0x800  }
0x74: {  	[sflag:s7] =	ssyncset.done $0x0  }
0x75: {  	[sflag:s7] =	ssyncadd.s32 $0xFFFFF800  }
0x76: {  	_ =	swait.ge [sflag:s7], $0x1000  }
0x77: {  	[sflag:s7] =	ssyncset.done $0x0  }
0x78: {  	[sflag:s7] =	ssyncadd.s32 $0xFFFFF000  }
0x79: {  	_ =	swait.ge [sflag:s7], $0x800  }
0x7a: {  	[sflag:s7] =	ssyncset.done $0x0  }
0x7b: {  	[sflag:s7] =	ssyncadd.s32 $0xFFFFF800  }
0x7c: {  	_ =	swait.ge [sflag:s7], $0x1000  }
0x7d: {  	[sflag:s7] =	ssyncset.done $0x0  }
0x7e: {  	[sflag:s7] =	ssyncadd.s32 $0xFFFFF000  }
0x7f: {  	_ =	swait.ge [sflag:s7], $0x800  }
0x80: {  	[sflag:s7] =	ssyncset.done $0x0  }
0x81: {  	[sflag:s7] =	ssyncadd.s32 $0xFFFFF800  }
0x82: {  	_ =	swait.ge [sflag:s7], $0x1000  }
0x83: {  	[sflag:s7] =	ssyncset.done $0x0  }
0x84: {  	[sflag:s7] =	ssyncadd.s32 $0xFFFFF000  }
0x85: {  	_ =	swait.ge [sflag:s7], $0x800  }
0x86: {  	[sflag:s7] =	ssyncset.done $0x0  }
0x87: {  	[sflag:s7] =	ssyncadd.s32 $0xFFFFF800  }
0x88: {  	_ =	swait.ge [sflag:s7], $0x1000  }
0x89: {  	[sflag:s7] =	ssyncset.done $0x0  }
0x8a: {  	[sflag:s7] =	ssyncadd.s32 $0xFFFFF000  }
0x8b: {  	_ =	swait.ge [sflag:s7], $0x800  }
0x8c: {  	[sflag:s7] =	ssyncset.done $0x0  }
0x8d: {  	[sflag:s7] =	ssyncadd.s32 $0xFFFFF800  }
0x8e: {  	_ =	swait.ge [sflag:s7], $0x1000  }
0x8f: {  	[sflag:s7] =	ssyncset.done $0x0  }
0x90: {  	[sflag:s7] =	ssyncadd.s32 $0xFFFFF000  }
0x91: {  	_ =	swait.ge [sflag:s7], $0x800  }
0x92: {  	[sflag:s7] =	ssyncset.done $0x0  }
0x93: {  	[sflag:s7] =	ssyncadd.s32 $0xFFFFF800  }
0x94: {  	_ =	swait.ge [sflag:s7], $0x1000  }
0x95: {  	[sflag:s7] =	ssyncset.done $0x0  }
0x96: {  	[sflag:s7] =	ssyncadd.s32 $0xFFFFF000  }
0x97: {  	_ =	swait.ge [sflag:s7], $0x800  }
0x98: {  	[sflag:s7] =	ssyncset.done $0x0  }
0x99: {  	[sflag:s7] =	ssyncadd.s32 $0xFFFFF800  }
0x9a: {  	_ =	swait.ge [sflag:s7], $0x1000  }
0x9b: {  	[sflag:s7] =	ssyncset.done $0x0  }
0x9c: {  	[sflag:s7] =	ssyncadd.s32 $0xFFFFF000  }
0x9d: {  	_ =	swait.ge [sflag:s7], $0x800  }
0x9e: {  	[sflag:s7] =	ssyncset.done $0x0  }
0x9f: {  	[sflag:s7] =	ssyncadd.s32 $0xFFFFF800  }
0xa0: {  	_ =	swait.ge [sflag:s7], $0x1000  }
0xa1: {  	[sflag:s7] =	ssyncset.done $0x0  }
0xa2: {  	[sflag:s7] =	ssyncadd.s32 $0xFFFFF000  }
0xa3: {  	_ =	swait.ge [sflag:s7], $0x800  }
0xa4: {  	[sflag:s7] =	ssyncset.done $0x0  }
0xa5: {  	[sflag:s7] =	ssyncadd.s32 $0xFFFFF800  }
0xa6: {  	_ =	swait.ge [sflag:s7], $0x1000  }
0xa7: {  	[sflag:s7] =	ssyncset.done $0x0  }
0xa8: {  	[sflag:s7] =	ssyncadd.s32 $0xFFFFF000  }
0xa9: {  	_ =	swait.ge [sflag:s7], $0x800  }
0xaa: {  	[sflag:s7] =	ssyncset.done $0x0  }
0xab: {  	[sflag:s7] =	ssyncadd.s32 $0xFFFFF800  }
0xac: {  	_ =	swait.ge [sflag:s7], $0x1000  }
0xad: {  	[sflag:s7] =	ssyncset.done $0x0  }
0xae: {  	[sflag:s7] =	ssyncadd.s32 $0xFFFFF000  }
0xaf: {  	_ =	swait.ge [sflag:s7], $0x800  }
0xb0: {  	[sflag:s7] =	ssyncset.done $0x0  }
0xb1: {  	[sflag:s7] =	ssyncadd.s32 $0xFFFFF800  }
0xb2: {  	_ =	swait.ge [sflag:s7], $0x1000  }
0xb3: {  	[sflag:s7] =	ssyncset.done $0x0  }
0xb4: {  	[sflag:s7] =	ssyncadd.s32 $0xFFFFF000  }
0xb5: {  	s15 =	smul.u32 $0x700, s13;
	_ =	swait.ge [sflag:s7], $0x800  }
0xb6: {  	[sflag:s7] =	ssyncset.done $0x0  }
0xb7: {  	s16 =	simm.s32 $0x0;
	s17 =	simm.s32 $0x0;
	v1 =	vmov s15;
	[sflag:s7] =	ssyncadd.s32 $0xFFFFF800  }
.LBB2_5:
0xb8: {  	s18 =	sshll.u32 s17, $0x4  }
0xb9: {  	v2 =	vmov s18  }
0xba: {  	v2 =	vmul.u32 $0x1C, v2;
	_ =	sdelay $0x1  }
0xbb: {  	v2 =	vadd.s32 v1, v2  }
0xbc: {  	v3 =	vadd.s32 s16, v2  }
0xbd: {  	v3 =	vbroadcast v3, $0x0;
	_ =	sdelay $0x1  }
0xbe: {  	v3 =	vadd.s32 v0, v3  }
0xbf: {  	s19 =	simm.s32 $0x1  }
0xc0: {  	v4 =	vadd.s32 s19, v2  }
0xc1: {  	v4 =	vbroadcast v4, $0x0;
	_ =	sdelay $0x1  }
0xc2: {  	v4 =	vadd.s32 v0, v4;
	v5 =	vld.idx.msk [tilespmem:v3+s3+$0x0], $0xffff  }
0xc3: {  	s20 =	simm.s32 $0x2  }
0xc4: {  	v6 =	vadd.s32 s20, v2  }
0xc5: {  	v6 =	vbroadcast v6, $0x0  }
0xc6: {  	v7 =	vsub.s32 v3, v1  }
0xc7: {  	v3 =	vadd.s32 v0, v6;
	v8 =	vld.idx.msk [tilespmem:v4+s3+$0x0], $0xffff;
	v6 =	vshll.u32 v7, $0x4;
	v5 =	vand.u32 $0xF, v5  }
0xc8: {  	s21 =	simm.s32 $0x3;
	v5 =	vor.u32 v6, v5  }
0xc9: {  	v6 =	vadd.s32 s21, v2  }
0xca: {  	v7 =	vbroadcast v6, $0x0  }
0xcb: {  	v4 =	vsub.s32 v4, v1  }
0xcc: {  	v9 =	vshll.u32 v4, $0x4;
	v10 =	vand.u32 $0xF, v8;
	v6 =	vld.idx.msk [tilespmem:v3+s3+$0x0], $0xffff;
	v8 =	vadd.s32 v0, v7  }
0xcd: {  	s19 =	simm.s32 $0x4;
	v4 =	vimm.f32 $0.0e+00;
	v7 =	vor.u32 v9, v10;
	v5 =	vld.idx.msk [tilespmem:v5+s14+$0x0], $0xffff  }
.LBB2_6:
0xce: {  	v9 =	vadd.s32 s19, v2;
	p0 =	sne.s32 s19, $0x19  }
.Ltmp1:
0xcf: {  	v9 =	vbroadcast v9, $0x0;
	(pc) =	sbr.rel @p0 .LBB2_6-.Ltmp1, $4  }
0xd0: {  	s19 =	sadd.s32 $0x1, s19  }
0xd1: {  	v10 =	vsub.s32 v3, v1;
	v3 =	vmovc v8;
	v11 =	vmov v6;
	v6 =	vld.idx.msk [tilespmem:v8+s3+$0x0], $0xffff;
	v8 =	vadd.s32 v0, v9  }
0xd2: {  	v9 =	vshll.u32 v10, $0x4;
	v10 =	vand.u32 $0xF, v11;
	v4 =	vadd.f32 v5, v4;
	v5 =	vld.idx.msk [tilespmem:v7+s14+$0x0], $0xffff  }
0xd3: {  	v7 =	vor.u32 v9, v10  }
0xd4: {  	_ =	sdelay $0x3  }
0xd5: {  	v2 =	vld.idx.msk [tilespmem:v8+s3+$0x0], $0xffff;
	_ =	sdelay $0x1  }
0xd6: {  	v3 =	vsub.s32 v3, v1  }
0xd7: {  	v3 =	vshll.u32 v3, $0x4;
	v6 =	vand.u32 $0xF, v6  }
0xd8: {  	v62 =	vsub.s32 v8, v1;
	v3 =	vor.u32 v3, v6  }
0xd9: {  	v6 =	vshll.u32 v62, $0x4;
	v2 =	vand.u32 $0xF, v2  }
0xda: {  	v2 =	vor.u32 v6, v2  }
0xdb: {  	v63 =	vld.idx.msk [tilespmem:v7+s14+$0x0], $0xffff;
	_ =	sdelay $0x1  }
0xdc: {  	v3 =	vld.idx.msk [tilespmem:v3+s14+$0x0], $0xffff  }
0xdd: {  	v4 =	vadd.f32 v5, v4  }
0xde: {  	v2 =	vld.idx.msk [tilespmem:v2+s14+$0x0], $0xffff  }
0xdf: {  	s17 =	sadd.s32 $0x1, s17;
	v4 =	vadd.f32 v63, v4  }
0xe0: {  	p0 =	sne.s32 s17, $0x4  }
.Ltmp2:
0xe1: {  	v3 =	vadd.f32 v3, v4;
	(pc) =	sbr.rel @p0 .LBB2_5-.Ltmp2, $3  }
0xe2: {  	_ = 	snop  }
0xe3: {  	v2 =	vadd.f32 v2, v3;
	_ =	sdelay $0x1  }
0xe4: {  	[tilespmem:s18+$0x18F00] =	vst v2  }
0xe5: {  	s15 =	sadd.s32 s2, s15  }
0xe6: {  	s15 =	sshll.u32 s15, $0x2  }
0xe7: {  	s15 =	sadd.s32 s6, s15  }
0xe8: {  	[hbm4b:s15+s3] =	stream.linear.scatter [tilespmem:s12], [sflag:$0x2], $0xE000, $0x38;
	[tilespmem:$0x18F40] =	vst v63  }
0xe9: {  	s21 =	sshll.u32 s13, $0x3;
	s13 =	sadd.s32 $0x1, s13;
	_ =	swait.ge [sflag:s10], $0xE000  }
0xea: {  	p0 =	sne.s32 s13, $0x8;
	[sflag:s10] =	ssyncset.done $0x0  }
.Ltmp3:
0xeb: {  	s15 =	sadd.s32 s21, s8;
	[sflag:s10] =	ssyncadd.s32 $0xFFFF2000;
	(pc) =	sbr.rel @p0 .LBB2_2-.Ltmp3, $4  }
0xec: {  	[hbm4b:s15+s3] =	stream.linear.scatter [tilespmem:s9], [sflag:$0x2], $0x40, $0x38;
	[tilespmem:$0x18F40] =	vst v63  }
0xed: {  	_ =	swait.ge [sflag:s10], $0x40  }
0xee: {  	[sflag:s10] =	ssyncset.done $0x0  }
0xef: {  	[sflag:s10] =	ssyncadd.s32 $0xFFFFFFC0  }
0xf0: {  	s15 =	rddreg [dreg:$0x5]  }
0xf1: {  	s13 =	rddreg [dreg:$0x4];
	s15 =	sadd.s32 $0x1, s15  }
0xf2: {  	p0 =	sne.s32 s15, s13  }
.Ltmp4:
0xf3: {  	_ = 	snop;
	(pc) =	sbr.rel @p0 .LBB2_1-.Ltmp4, $1  }
0xf4: {  	_ =	sdelay $0x3  }
0xf5: {  	_ =	sfence.sel $0x180000  }
0xf6: {  	[bflag:$0x0] =	sbarrier.arrive $0xFFFF  }
0xf7: {  	_ =	strace $0x90000047  }
0xf8: {  	s0 =	stileid.u32;
	[bflag:$0x2] =	sbarrier.arrive $0xFFFF  }
0xf9: {  	p0 =	sne.s32 s0, $0x0;
	s0 =	rddreg [dreg:$0x2]  }
0xfa: {  	s0 =	sadd.s32 @!p0 $0x100000, s0  }
0xfb: {  	[sflag:s0] =	ssyncadd.tile.s32 @!p0 $0x1;
	_ =	shalt  }
.Lfunc_end2:
_tile_overlayer_lowered:
.L_overlay_start_2:
0xfc: {  	(tag) =	ssettag $0x2  }
0xfd: {  	s0 =	rddreg [dreg:$0x0];
	s2 =	stileid.u32  }
0xfe: {  	s1 =	rddreg [dreg:$0x1];
	p0 =	sne.s32 s2, $0x0  }
0xff: {  	s3 =	rddreg [dreg:$0x2];
	[bflag:$0x3] =	sbarrier.arrive $0xFFFF;
	s2 =	simm.s32 @!p0 $0x1C02  }
0x100: {  	[timem:s3], [sflag:s2] =	dma.local @!p0 [hbm:s0], s1  }
0x101: {  	s0 =	simm.s32 @!p0 $0x2  }
0x102: {  	_ =	swait.ge @!p0 [sflag:s0], s1  }
0x103: {  	s1 =	ssub.s32 @!p0 $0x0, s1;
	[sflag:s0] =	ssyncset.done @!p0 $0x0  }
0x104: {  	[sflag:s0] =	ssyncadd.s32 @!p0 s1  }
0x105: {  	[bflag:$0x3] =	sbarrier.arrive $0xFFFF  }
0x106: {  	_ =	shalt  }

</sc_bundles>
